<compile_context>
chip_gen: v7x
topology: tpu7x:2x2x1
jax: 0.10.2.dev20260603
libtpu: 0.0.44.dev20260713+nightly
codegen_flags: <defaults>
</compile_context>

<pallas_src>
import jax
import jax.numpy as jnp
from jax import lax
from jax.experimental import pallas as pl
from jax.experimental.pallas import tpu as pltpu
from jax.experimental.pallas import tpu_sc as plsc

D = 64
IDX_ROW = 100
CHUNK_B = 2
RELU_TILES = 8


def _sc_body(vocab, hist, batches_per_w, nc):
    relu_rows = vocab // RELU_TILES
    n_chunks = batches_per_w // CHUNK_B
    sub_per_chunk = CHUNK_B * hist // IDX_ROW

    def body(idx_hbm, table_hbm, out_hbm, shared_tab, tab_v, idx_v, rows0,
             rows1, gsem0, gsem1):
        cid = lax.axis_index("c")
        sid = lax.axis_index("s")
        wid = sid * nc + cid

        @pl.when(sid < RELU_TILES)
        def _():
            r0 = sid * relu_rows
            pltpu.sync_copy(table_hbm.at[pl.ds(r0, relu_rows)], tab_v)

            def relu_row(r, _):
                for k in range(D // 16):
                    v = tab_v[r, pl.ds(k * 16, 16)]
                    tab_v[r, pl.ds(k * 16, 16)] = jnp.maximum(v, 0.0)
                return 0

            lax.fori_loop(0, relu_rows, relu_row, 0)
            pltpu.sync_copy(tab_v, shared_tab.at[pl.ds(r0, relu_rows)])

        batch_base = wid * batches_per_w
        idx_row_base = wid * (batches_per_w * hist // IDX_ROW)
        pltpu.sync_copy(
            idx_hbm.at[pl.ds(idx_row_base, n_chunks * sub_per_chunk)], idx_v
        )

        plsc.subcore_barrier()


        def fire(c, rows, sem):
            for j in range(sub_per_chunk):
                pltpu.async_copy(
                    shared_tab.at[idx_v.at[c * sub_per_chunk + j]],
                    rows.at[pl.ds(j * IDX_ROW, IDX_ROW)],
                    sem,
                )

        def drain(rows, sem):
            pltpu.make_async_copy(
                out_hbm.at[
                    pl.ds(batch_base * hist, CHUNK_B * hist), pl.ds(0, D)
                ],
                rows,
                sem,
            ).wait()

        def out_copy(c, rows):
            pltpu.sync_copy(
                rows,
                out_hbm.at[
                    pl.ds((batch_base + c * CHUNK_B) * hist, CHUNK_B * hist),
                    pl.ds(0, D),
                ],
            )

        fire(0, rows0, gsem0)

        def pair_body(p, _):
            c0 = 2 * p
            fire(c0 + 1, rows1, gsem1)
            drain(rows0, gsem0)
            out_copy(c0, rows0)

            @pl.when(p < n_chunks // 2 - 1)
            def _():
                fire(c0 + 2, rows0, gsem0)

            drain(rows1, gsem1)
            out_copy(c0 + 1, rows1)
            return 0

        lax.fori_loop(0, n_chunks // 2, pair_body, 0)

    return body


def kernel(x, emb_weight):
    b, h = x.shape
    vocab, d = emb_weight.shape
    assert d == D and h % IDX_ROW == 0

    info = plsc.get_sparse_core_info()
    nw = info.num_cores * info.num_subcores
    batches_per_w = b // nw
    assert batches_per_w * nw == b and batches_per_w % (2 * CHUNK_B) == 0

    idx2d = x.reshape(-1, IDX_ROW)
    mesh = plsc.VectorSubcoreMesh(core_axis_name="c", subcore_axis_name="s")
    out = pl.kernel(
        _sc_body(vocab, h, batches_per_w, info.num_cores),
        out_type=jax.ShapeDtypeStruct((b * h, 2 * D), jnp.float32),
        mesh=mesh,
        compiler_params=pltpu.CompilerParams(
            needs_layout_passes=False, use_tc_tiling_on_sc=False
        ),
        scratch_types=[
            pltpu.VMEM_SHARED((vocab, D), jnp.float32),
            pltpu.VMEM((vocab // RELU_TILES, D), jnp.float32),
            pltpu.VMEM((batches_per_w * h // IDX_ROW, IDX_ROW), jnp.int32),
            pltpu.VMEM((CHUNK_B * h, D), jnp.float32),
            pltpu.VMEM((CHUNK_B * h, D), jnp.float32),
            pltpu.SemaphoreType.DMA,
            pltpu.SemaphoreType.DMA,
        ],
    )(idx2d, emb_weight)
    return out[:, :D].reshape(b, h, D)

# --- scband reference (transcript-rebuilt; emitter-appended) ---
"""Pipeline reference for scband-embedding-24026047054674 (READ-ONLY COPY).

The authoritative reference and input builder live on the scoring server;
editing this copy changes nothing except your own understanding.
"""

import jax, jax.numpy as jnp
import numpy as np

VOCAB = 1000
EMB_DIM = 64
BATCH = 4096
HIST = 200

def setup_inputs(seed: int = 0) -> dict:
    key = jax.random.key(seed)
    k1, k2 = jax.random.split(key)
    x = jax.random.randint(k1, (BATCH, HIST), 0, VOCAB, dtype=jnp.int32)
    emb_weight = jax.random.normal(k2, (VOCAB, EMB_DIM), dtype=jnp.float32)
    return {"x": x, "emb_weight": emb_weight}

def reference(x, emb_weight):
    # nn.Embedding lookup -> gather rows of the table
    out = jnp.take(emb_weight, x, axis=0)
    # ReLU (load_glove_embedding=False branch)
    out = jax.nn.relu(out)
    # Dropout(p=0.5) in eval mode is identity
    return out

if __name__ == "__main__":
    import jax
    _d = setup_inputs()
    print(jax.jit(kernel)(*tuple(_d.values())))

</pallas_src>

<mosaic_0001>
#map = affine_map<(d0, d1) -> (0, 0)>
module attributes {stable_mosaic.version = 14 : i64} {
  func.func @body(%arg0: i32, %arg1: i32, %arg2: memref<8192x100xi32, #tpu.memory_space<hbm>>, %arg3: memref<1000x64xf32, #tpu.memory_space<hbm>>, %arg4: memref<819200x128xf32, #tpu.memory_space<hbm>>, %arg5: memref<1000x64xf32, #tpu.memory_space<vmem_shared>>, %arg6: memref<125x64xf32, #tpu.memory_space<vmem>>, %arg7: memref<256x100xi32, #tpu.memory_space<vmem>>, %arg8: memref<400x64xf32, #tpu.memory_space<vmem>>, %arg9: memref<400x64xf32, #tpu.memory_space<vmem>>, %arg10: memref<!tpu.dma_semaphore, #tpu.memory_space<semaphore_mem>>, %arg11: memref<!tpu.dma_semaphore, #tpu.memory_space<semaphore_mem>>) attributes {dimension_semantics = [#tpu.dimension_semantics<core_parallel>, #tpu.dimension_semantics<subcore_parallel>], iteration_bounds = array<i64: 2, 16>, scalar_prefetch = 0 : i64, scratch_operands = 7 : i64, tpu.core_type = #tpu.core_type<sc_vector_subcore>, window_params = [{transform_indices = #map}, {transform_indices = #map}, {transform_indices = #map}]} {
    %mul3A = arith.constant 2 : i32
    %mul3A_0 = arith.muli %arg1, %mul3A : i32
    %add3A = arith.addi %mul3A_0, %arg0 : i32
    %lt3A = arith.constant 8 : i32
    %lt3A_1 = arith.cmpi slt, %arg1, %lt3A : i32
    %convert_element_type3A = arith.extui %lt3A_1 : i1 to i32
    %cond3A = arith.constant 0 : i32
    %cond3A_2 = arith.cmpi ne, %convert_element_type3A, %cond3A : i32
    scf.if %cond3A_2 {
      %mul3A_52 = arith.constant 125 : i32
      %mul3A_53 = arith.muli %arg1, %mul3A_52 : i32
      "tpu.region"() ({
        %run_scoped3A = tpu.sem_alloc : memref<!tpu.dma_semaphore, #tpu.memory_space<semaphore_mem>>
        %dma_start3A_61 = arith.constant 0 : i32
        %dma_start3A_62 = tpu.memref_slice %arg3[%mul3A_53, %dma_start3A_61] : memref<1000x64xf32, #tpu.memory_space<hbm>> -> memref<125x64xf32, #tpu.memory_space<hbm>>
        %dma_start3A_63 = arith.constant 0 : i32
        %dma_start3A_64 = tpu.memref_slice %arg3[%mul3A_53, %dma_start3A_63] : memref<1000x64xf32, #tpu.memory_space<hbm>> -> memref<125x64xf32, #tpu.memory_space<hbm>>
        tpu.enqueue_dma source(%dma_start3A_64 : memref<125x64xf32, #tpu.memory_space<hbm>>) target(%arg6 : memref<125x64xf32, #tpu.memory_space<vmem>>) target_semaphore(%run_scoped3A : memref<!tpu.dma_semaphore, #tpu.memory_space<semaphore_mem>>)
        %dma_wait3A = arith.constant 0 : i32
        %dma_wait3A_65 = tpu.memref_slice %arg3[%mul3A_53, %dma_wait3A] : memref<1000x64xf32, #tpu.memory_space<hbm>> -> memref<125x64xf32, #tpu.memory_space<hbm>>
        %dma_wait3A_66 = arith.constant 0 : i32
        %dma_wait3A_67 = tpu.memref_slice %arg3[%mul3A_53, %dma_wait3A_66] : memref<1000x64xf32, #tpu.memory_space<hbm>> -> memref<125x64xf32, #tpu.memory_space<hbm>>
        tpu.wait_dma2 semaphore(%run_scoped3A : memref<!tpu.dma_semaphore, #tpu.memory_space<semaphore_mem>>) src(%dma_wait3A_67 : memref<125x64xf32, #tpu.memory_space<hbm>>) dst(%arg6 : memref<125x64xf32, #tpu.memory_space<vmem>>)
        tpu.yield
      }) : () -> ()
      %scan3A_54 = arith.constant 0 : i32
      %scan3A_55 = arith.constant 0 : i32
      %scan3A_56 = arith.constant 125 : i32
      %scan3A_57 = arith.addi %scan3A_55, %scan3A_56 : i32
      %scan3A_58 = arith.constant 1 : i32
      %scan3A_59 = scf.for %scan3A_61 = %scan3A_55 to %scan3A_57 step %scan3A_58 iter_args(%scan3A_62 = %scan3A_54) -> (i32)  : i32 {
        %get3A = arith.index_cast %scan3A_61 : i32 to index
        %get3A_63 = arith.constant 0 : index
        %get3A_64 = tpu.vector_load %arg6[%get3A, %get3A_63] {strides = array<i32>} : memref<125x64xf32, #tpu.memory_space<vmem>>, vector<16xf32>,
        %max3A = arith.constant 0.000000e+00 : f32
        %max3A_65 = vector.broadcast %max3A : f32 to vector<16xf32>
        %max3A_66 = arith.maximumf %get3A_64, %max3A_65 : vector<16xf32>
        %swap3A = arith.index_cast %scan3A_61 : i32 to index
        %swap3A_67 = arith.constant 0 : index
        %swap3A_68 = tpu.vector_load %arg6[%swap3A, %swap3A_67] {strides = array<i32>} : memref<125x64xf32, #tpu.memory_space<vmem>>, vector<16xf32>,
        tpu.vector_store %arg6[%swap3A, %swap3A_67], %max3A_66 {strides = array<i32>} : memref<125x64xf32, #tpu.memory_space<vmem>>, vector<16xf32>,
        %get3A_69 = arith.index_cast %scan3A_61 : i32 to index
        %get3A_70 = arith.constant 16 : index
        %get3A_71 = tpu.vector_load %arg6[%get3A_69, %get3A_70] {strides = array<i32>} : memref<125x64xf32, #tpu.memory_space<vmem>>, vector<16xf32>,
        %max3A_72 = arith.constant 0.000000e+00 : f32
        %max3A_73 = vector.broadcast %max3A_72 : f32 to vector<16xf32>
        %max3A_74 = arith.maximumf %get3A_71, %max3A_73 : vector<16xf32>
        %swap3A_75 = arith.index_cast %scan3A_61 : i32 to index
        %swap3A_76 = arith.constant 16 : index
        %swap3A_77 = tpu.vector_load %arg6[%swap3A_75, %swap3A_76] {strides = array<i32>} : memref<125x64xf32, #tpu.memory_space<vmem>>, vector<16xf32>,
        tpu.vector_store %arg6[%swap3A_75, %swap3A_76], %max3A_74 {strides = array<i32>} : memref<125x64xf32, #tpu.memory_space<vmem>>, vector<16xf32>,
        %get3A_78 = arith.index_cast %scan3A_61 : i32 to index
        %get3A_79 = arith.constant 32 : index
        %get3A_80 = tpu.vector_load %arg6[%get3A_78, %get3A_79] {strides = array<i32>} : memref<125x64xf32, #tpu.memory_space<vmem>>, vector<16xf32>,
        %max3A_81 = arith.constant 0.000000e+00 : f32
        %max3A_82 = vector.broadcast %max3A_81 : f32 to vector<16xf32>
        %max3A_83 = arith.maximumf %get3A_80, %max3A_82 : vector<16xf32>
        %swap3A_84 = arith.index_cast %scan3A_61 : i32 to index
        %swap3A_85 = arith.constant 32 : index
        %swap3A_86 = tpu.vector_load %arg6[%swap3A_84, %swap3A_85] {strides = array<i32>} : memref<125x64xf32, #tpu.memory_space<vmem>>, vector<16xf32>,
        tpu.vector_store %arg6[%swap3A_84, %swap3A_85], %max3A_83 {strides = array<i32>} : memref<125x64xf32, #tpu.memory_space<vmem>>, vector<16xf32>,
        %get3A_87 = arith.index_cast %scan3A_61 : i32 to index
        %get3A_88 = arith.constant 48 : index
        %get3A_89 = tpu.vector_load %arg6[%get3A_87, %get3A_88] {strides = array<i32>} : memref<125x64xf32, #tpu.memory_space<vmem>>, vector<16xf32>,
        %max3A_90 = arith.constant 0.000000e+00 : f32
        %max3A_91 = vector.broadcast %max3A_90 : f32 to vector<16xf32>
        %max3A_92 = arith.maximumf %get3A_89, %max3A_91 : vector<16xf32>
        %swap3A_93 = arith.index_cast %scan3A_61 : i32 to index
        %swap3A_94 = arith.constant 48 : index
        %swap3A_95 = tpu.vector_load %arg6[%swap3A_93, %swap3A_94] {strides = array<i32>} : memref<125x64xf32, #tpu.memory_space<vmem>>, vector<16xf32>,
        tpu.vector_store %arg6[%swap3A_93, %swap3A_94], %max3A_92 {strides = array<i32>} : memref<125x64xf32, #tpu.memory_space<vmem>>, vector<16xf32>,
        %scan3A_96 = arith.constant 0 : i32
        scf.yield %scan3A_96 : i32
      }
      %scan3A_60 = arith.constant 125 : i32
      "tpu.region"() ({
        %run_scoped3A = tpu.sem_alloc : memref<!tpu.dma_semaphore, #tpu.memory_space<semaphore_mem>>
        %dma_start3A_61 = arith.constant 0 : i32
        %dma_start3A_62 = tpu.memref_slice %arg5[%mul3A_53, %dma_start3A_61] : memref<1000x64xf32, #tpu.memory_space<vmem_shared>> -> memref<125x64xf32, #tpu.memory_space<vmem_shared>>
        %dma_start3A_63 = arith.constant 0 : i32
        %dma_start3A_64 = tpu.memref_slice %arg5[%mul3A_53, %dma_start3A_63] : memref<1000x64xf32, #tpu.memory_space<vmem_shared>> -> memref<125x64xf32, #tpu.memory_space<vmem_shared>>
        tpu.enqueue_dma source(%arg6 : memref<125x64xf32, #tpu.memory_space<vmem>>) target(%dma_start3A_64 : memref<125x64xf32, #tpu.memory_space<vmem_shared>>) target_semaphore(%run_scoped3A : memref<!tpu.dma_semaphore, #tpu.memory_space<semaphore_mem>>)
        %dma_wait3A = arith.constant 0 : i32
        %dma_wait3A_65 = tpu.memref_slice %arg5[%mul3A_53, %dma_wait3A] : memref<1000x64xf32, #tpu.memory_space<vmem_shared>> -> memref<125x64xf32, #tpu.memory_space<vmem_shared>>
        %dma_wait3A_66 = arith.constant 0 : i32
        %dma_wait3A_67 = tpu.memref_slice %arg5[%mul3A_53, %dma_wait3A_66] : memref<1000x64xf32, #tpu.memory_space<vmem_shared>> -> memref<125x64xf32, #tpu.memory_space<vmem_shared>>
        tpu.wait_dma2 semaphore(%run_scoped3A : memref<!tpu.dma_semaphore, #tpu.memory_space<semaphore_mem>>) src(%arg6 : memref<125x64xf32, #tpu.memory_space<vmem>>) dst(%dma_wait3A_67 : memref<125x64xf32, #tpu.memory_space<vmem_shared>>)
        tpu.yield
      }) : () -> ()
    } else {
    }
    %mul3A_3 = arith.constant 128 : i32
    %mul3A_4 = arith.muli %add3A, %mul3A_3 : i32
    %mul3A_5 = arith.constant 256 : i32
    %mul3A_6 = arith.muli %add3A, %mul3A_5 : i32
    "tpu.region"() ({
      %run_scoped3A = tpu.sem_alloc : memref<!tpu.dma_semaphore, #tpu.memory_space<semaphore_mem>>
      %dma_start3A_52 = arith.constant 0 : i32
      %dma_start3A_53 = tpu.memref_slice %arg2[%mul3A_6, %dma_start3A_52] : memref<8192x100xi32, #tpu.memory_space<hbm>> -> memref<256x100xi32, #tpu.memory_space<hbm>>
      %dma_start3A_54 = arith.constant 0 : i32
      %dma_start3A_55 = tpu.memref_slice %arg2[%mul3A_6, %dma_start3A_54] : memref<8192x100xi32, #tpu.memory_space<hbm>> -> memref<256x100xi32, #tpu.memory_space<hbm>>
      tpu.enqueue_dma source(%dma_start3A_55 : memref<256x100xi32, #tpu.memory_space<hbm>>) target(%arg7 : memref<256x100xi32, #tpu.memory_space<vmem>>) target_semaphore(%run_scoped3A : memref<!tpu.dma_semaphore, #tpu.memory_space<semaphore_mem>>)
      %dma_wait3A = arith.constant 0 : i32
      %dma_wait3A_56 = tpu.memref_slice %arg2[%mul3A_6, %dma_wait3A] : memref<8192x100xi32, #tpu.memory_space<hbm>> -> memref<256x100xi32, #tpu.memory_space<hbm>>
      %dma_wait3A_57 = arith.constant 0 : i32
      %dma_wait3A_58 = tpu.memref_slice %arg2[%mul3A_6, %dma_wait3A_57] : memref<8192x100xi32, #tpu.memory_space<hbm>> -> memref<256x100xi32, #tpu.memory_space<hbm>>
      tpu.wait_dma2 semaphore(%run_scoped3A : memref<!tpu.dma_semaphore, #tpu.memory_space<semaphore_mem>>) src(%dma_wait3A_58 : memref<256x100xi32, #tpu.memory_space<hbm>>) dst(%arg7 : memref<256x100xi32, #tpu.memory_space<vmem>>)
      tpu.yield
    }) : () -> ()
    %barrier3A = arith.constant 0 : index
    tpu.barrier barrier_id(%barrier3A)
    %dma_start3A = arith.constant 0 : i32
    %dma_start3A_7 = arith.constant 0 : i32
    %dma_start3A_8 = arith.constant 0 : i32
    %dma_start3A_9 = tpu.memref_slice %arg8[%dma_start3A_7, %dma_start3A_8] : memref<400x64xf32, #tpu.memory_space<vmem>> -> memref<100x64xf32, #tpu.memory_space<vmem>>
    %dma_start3A_10 = arith.constant 0 : i32
    %dma_start3A_11 = tpu.memref_slice %arg7[%dma_start3A, %dma_start3A_10] : memref<256x100xi32, #tpu.memory_space<vmem>> -> memref<1x100xi32, #tpu.memory_space<vmem>>
    %dma_start3A_12 = tpu.memref_squeeze %dma_start3A_11 : memref<1x100xi32, #tpu.memory_space<vmem>> -> memref<100xi32, #tpu.memory_space<vmem>>
    %dma_start3A_13 = arith.constant 0 : i32
    %dma_start3A_14 = arith.constant 0 : i32
    %dma_start3A_15 = tpu.memref_slice %arg5[%dma_start3A_13, %dma_start3A_14] : memref<1000x64xf32, #tpu.memory_space<vmem_shared>> -> memref<1000x64xf32, #tpu.memory_space<vmem_shared>>
    tpu.enqueue_indirect_dma source(%dma_start3A_15 : memref<1000x64xf32, #tpu.memory_space<vmem_shared>>) target(%dma_start3A_9 : memref<100x64xf32, #tpu.memory_space<vmem>>) offsets(%dma_start3A_12 : memref<100xi32, #tpu.memory_space<vmem>>) semaphore(%arg10 : memref<!tpu.dma_semaphore, #tpu.memory_space<semaphore_mem>>)
    %dma_start3A_16 = arith.constant 1 : i32
    %dma_start3A_17 = arith.constant 100 : i32
    %dma_start3A_18 = arith.constant 0 : i32
    %dma_start3A_19 = tpu.memref_slice %arg8[%dma_start3A_17, %dma_start3A_18] : memref<400x64xf32, #tpu.memory_space<vmem>> -> memref<100x64xf32, #tpu.memory_space<vmem>>
    %dma_start3A_20 = arith.constant 0 : i32
    %dma_start3A_21 = tpu.memref_slice %arg7[%dma_start3A_16, %dma_start3A_20] : memref<256x100xi32, #tpu.memory_space<vmem>> -> memref<1x100xi32, #tpu.memory_space<vmem>>
    %dma_start3A_22 = tpu.memref_squeeze %dma_start3A_21 : memref<1x100xi32, #tpu.memory_space<vmem>> -> memref<100xi32, #tpu.memory_space<vmem>>
    %dma_start3A_23 = arith.constant 0 : i32
    %dma_start3A_24 = arith.constant 0 : i32
    %dma_start3A_25 = tpu.memref_slice %arg5[%dma_start3A_23, %dma_start3A_24] : memref<1000x64xf32, #tpu.memory_space<vmem_shared>> -> memref<1000x64xf32, #tpu.memory_space<vmem_shared>>
    tpu.enqueue_indirect_dma source(%dma_start3A_25 : memref<1000x64xf32, #tpu.memory_space<vmem_shared>>) target(%dma_start3A_19 : memref<100x64xf32, #tpu.memory_space<vmem>>) offsets(%dma_start3A_22 : memref<100xi32, #tpu.memory_space<vmem>>) semaphore(%arg10 : memref<!tpu.dma_semaphore, #tpu.memory_space<semaphore_mem>>)
    %dma_start3A_26 = arith.constant 2 : i32
    %dma_start3A_27 = arith.constant 200 : i32
    %dma_start3A_28 = arith.constant 0 : i32
    %dma_start3A_29 = tpu.memref_slice %arg8[%dma_start3A_27, %dma_start3A_28] : memref<400x64xf32, #tpu.memory_space<vmem>> -> memref<100x64xf32, #tpu.memory_space<vmem>>
    %dma_start3A_30 = arith.constant 0 : i32
    %dma_start3A_31 = tpu.memref_slice %arg7[%dma_start3A_26, %dma_start3A_30] : memref<256x100xi32, #tpu.memory_space<vmem>> -> memref<1x100xi32, #tpu.memory_space<vmem>>
    %dma_start3A_32 = tpu.memref_squeeze %dma_start3A_31 : memref<1x100xi32, #tpu.memory_space<vmem>> -> memref<100xi32, #tpu.memory_space<vmem>>
    %dma_start3A_33 = arith.constant 0 : i32
    %dma_start3A_34 = arith.constant 0 : i32
    %dma_start3A_35 = tpu.memref_slice %arg5[%dma_start3A_33, %dma_start3A_34] : memref<1000x64xf32, #tpu.memory_space<vmem_shared>> -> memref<1000x64xf32, #tpu.memory_space<vmem_shared>>
    tpu.enqueue_indirect_dma source(%dma_start3A_35 : memref<1000x64xf32, #tpu.memory_space<vmem_shared>>) target(%dma_start3A_29 : memref<100x64xf32, #tpu.memory_space<vmem>>) offsets(%dma_start3A_32 : memref<100xi32, #tpu.memory_space<vmem>>) semaphore(%arg10 : memref<!tpu.dma_semaphore, #tpu.memory_space<semaphore_mem>>)
    %dma_start3A_36 = arith.constant 3 : i32
    %dma_start3A_37 = arith.constant 300 : i32
    %dma_start3A_38 = arith.constant 0 : i32
    %dma_start3A_39 = tpu.memref_slice %arg8[%dma_start3A_37, %dma_start3A_38] : memref<400x64xf32, #tpu.memory_space<vmem>> -> memref<100x64xf32, #tpu.memory_space<vmem>>
    %dma_start3A_40 = arith.constant 0 : i32
    %dma_start3A_41 = tpu.memref_slice %arg7[%dma_start3A_36, %dma_start3A_40] : memref<256x100xi32, #tpu.memory_space<vmem>> -> memref<1x100xi32, #tpu.memory_space<vmem>>
    %dma_start3A_42 = tpu.memref_squeeze %dma_start3A_41 : memref<1x100xi32, #tpu.memory_space<vmem>> -> memref<100xi32, #tpu.memory_space<vmem>>
    %dma_start3A_43 = arith.constant 0 : i32
    %dma_start3A_44 = arith.constant 0 : i32
    %dma_start3A_45 = tpu.memref_slice %arg5[%dma_start3A_43, %dma_start3A_44] : memref<1000x64xf32, #tpu.memory_space<vmem_shared>> -> memref<1000x64xf32, #tpu.memory_space<vmem_shared>>
    tpu.enqueue_indirect_dma source(%dma_start3A_45 : memref<1000x64xf32, #tpu.memory_space<vmem_shared>>) target(%dma_start3A_39 : memref<100x64xf32, #tpu.memory_space<vmem>>) offsets(%dma_start3A_42 : memref<100xi32, #tpu.memory_space<vmem>>) semaphore(%arg10 : memref<!tpu.dma_semaphore, #tpu.memory_space<semaphore_mem>>)
    %scan3A = arith.constant 0 : i32
    %scan3A_46 = arith.constant 0 : i32
    %scan3A_47 = arith.constant 32 : i32
    %scan3A_48 = arith.addi %scan3A_46, %scan3A_47 : i32
    %scan3A_49 = arith.constant 1 : i32
    %scan3A_50 = scf.for %scan3A_52 = %scan3A_46 to %scan3A_48 step %scan3A_49 iter_args(%scan3A_53 = %scan3A) -> (i32)  : i32 {
      %mul3A_54 = arith.constant 2 : i32
      %mul3A_55 = arith.muli %mul3A_54, %scan3A_52 : i32
      %add3A_56 = arith.constant 1 : i32
      %add3A_57 = arith.addi %mul3A_55, %add3A_56 : i32
      %mul3A_58 = arith.constant 4 : i32
      %mul3A_59 = arith.muli %add3A_57, %mul3A_58 : i32
      %add3A_60 = arith.constant 0 : i32
      %add3A_61 = arith.addi %mul3A_59, %add3A_60 : i32
      %dma_start3A_62 = arith.constant 0 : i32
      %dma_start3A_63 = arith.constant 0 : i32
      %dma_start3A_64 = tpu.memref_slice %arg9[%dma_start3A_62, %dma_start3A_63] : memref<400x64xf32, #tpu.memory_space<vmem>> -> memref<100x64xf32, #tpu.memory_space<vmem>>
      %dma_start3A_65 = arith.constant 0 : i32
      %dma_start3A_66 = tpu.memref_slice %arg7[%add3A_61, %dma_start3A_65] : memref<256x100xi32, #tpu.memory_space<vmem>> -> memref<1x100xi32, #tpu.memory_space<vmem>>
      %dma_start3A_67 = tpu.memref_squeeze %dma_start3A_66 : memref<1x100xi32, #tpu.memory_space<vmem>> -> memref<100xi32, #tpu.memory_space<vmem>>
      %dma_start3A_68 = arith.constant 0 : i32
      %dma_start3A_69 = arith.constant 0 : i32
      %dma_start3A_70 = tpu.memref_slice %arg5[%dma_start3A_68, %dma_start3A_69] : memref<1000x64xf32, #tpu.memory_space<vmem_shared>> -> memref<1000x64xf32, #tpu.memory_space<vmem_shared>>
      tpu.enqueue_indirect_dma source(%dma_start3A_70 : memref<1000x64xf32, #tpu.memory_space<vmem_shared>>) target(%dma_start3A_64 : memref<100x64xf32, #tpu.memory_space<vmem>>) offsets(%dma_start3A_67 : memref<100xi32, #tpu.memory_space<vmem>>) semaphore(%arg11 : memref<!tpu.dma_semaphore, #tpu.memory_space<semaphore_mem>>)
      %mul3A_71 = arith.constant 4 : i32
      %mul3A_72 = arith.muli %add3A_57, %mul3A_71 : i32
      %add3A_73 = arith.constant 1 : i32
      %add3A_74 = arith.addi %mul3A_72, %add3A_73 : i32
      %dma_start3A_75 = arith.constant 100 : i32
      %dma_start3A_76 = arith.constant 0 : i32
      %dma_start3A_77 = tpu.memref_slice %arg9[%dma_start3A_75, %dma_start3A_76] : memref<400x64xf32, #tpu.memory_space<vmem>> -> memref<100x64xf32, #tpu.memory_space<vmem>>
      %dma_start3A_78 = arith.constant 0 : i32
      %dma_start3A_79 = tpu.memref_slice %arg7[%add3A_74, %dma_start3A_78] : memref<256x100xi32, #tpu.memory_space<vmem>> -> memref<1x100xi32, #tpu.memory_space<vmem>>
      %dma_start3A_80 = tpu.memref_squeeze %dma_start3A_79 : memref<1x100xi32, #tpu.memory_space<vmem>> -> memref<100xi32, #tpu.memory_space<vmem>>
      %dma_start3A_81 = arith.constant 0 : i32
      %dma_start3A_82 = arith.constant 0 : i32
      %dma_start3A_83 = tpu.memref_slice %arg5[%dma_start3A_81, %dma_start3A_82] : memref<1000x64xf32, #tpu.memory_space<vmem_shared>> -> memref<1000x64xf32, #tpu.memory_space<vmem_shared>>
      tpu.enqueue_indirect_dma source(%dma_start3A_83 : memref<1000x64xf32, #tpu.memory_space<vmem_shared>>) target(%dma_start3A_77 : memref<100x64xf32, #tpu.memory_space<vmem>>) offsets(%dma_start3A_80 : memref<100xi32, #tpu.memory_space<vmem>>) semaphore(%arg11 : memref<!tpu.dma_semaphore, #tpu.memory_space<semaphore_mem>>)
      %mul3A_84 = arith.constant 4 : i32
      %mul3A_85 = arith.muli %add3A_57, %mul3A_84 : i32
      %add3A_86 = arith.constant 2 : i32
      %add3A_87 = arith.addi %mul3A_85, %add3A_86 : i32
      %dma_start3A_88 = arith.constant 200 : i32
      %dma_start3A_89 = arith.constant 0 : i32
      %dma_start3A_90 = tpu.memref_slice %arg9[%dma_start3A_88, %dma_start3A_89] : memref<400x64xf32, #tpu.memory_space<vmem>> -> memref<100x64xf32, #tpu.memory_space<vmem>>
      %dma_start3A_91 = arith.constant 0 : i32
      %dma_start3A_92 = tpu.memref_slice %arg7[%add3A_87, %dma_start3A_91] : memref<256x100xi32, #tpu.memory_space<vmem>> -> memref<1x100xi32, #tpu.memory_space<vmem>>
      %dma_start3A_93 = tpu.memref_squeeze %dma_start3A_92 : memref<1x100xi32, #tpu.memory_space<vmem>> -> memref<100xi32, #tpu.memory_space<vmem>>
      %dma_start3A_94 = arith.constant 0 : i32
      %dma_start3A_95 = arith.constant 0 : i32
      %dma_start3A_96 = tpu.memref_slice %arg5[%dma_start3A_94, %dma_start3A_95] : memref<1000x64xf32, #tpu.memory_space<vmem_shared>> -> memref<1000x64xf32, #tpu.memory_space<vmem_shared>>
      tpu.enqueue_indirect_dma source(%dma_start3A_96 : memref<1000x64xf32, #tpu.memory_space<vmem_shared>>) target(%dma_start3A_90 : memref<100x64xf32, #tpu.memory_space<vmem>>) offsets(%dma_start3A_93 : memref<100xi32, #tpu.memory_space<vmem>>) semaphore(%arg11 : memref<!tpu.dma_semaphore, #tpu.memory_space<semaphore_mem>>)
      %mul3A_97 = arith.constant 4 : i32
      %mul3A_98 = arith.muli %add3A_57, %mul3A_97 : i32
      %add3A_99 = arith.constant 3 : i32
      %add3A_100 = arith.addi %mul3A_98, %add3A_99 : i32
      %dma_start3A_101 = arith.constant 300 : i32
      %dma_start3A_102 = arith.constant 0 : i32
      %dma_start3A_103 = tpu.memref_slice %arg9[%dma_start3A_101, %dma_start3A_102] : memref<400x64xf32, #tpu.memory_space<vmem>> -> memref<100x64xf32, #tpu.memory_space<vmem>>
      %dma_start3A_104 = arith.constant 0 : i32
      %dma_start3A_105 = tpu.memref_slice %arg7[%add3A_100, %dma_start3A_104] : memref<256x100xi32, #tpu.memory_space<vmem>> -> memref<1x100xi32, #tpu.memory_space<vmem>>
      %dma_start3A_106 = tpu.memref_squeeze %dma_start3A_105 : memref<1x100xi32, #tpu.memory_space<vmem>> -> memref<100xi32, #tpu.memory_space<vmem>>
      %dma_start3A_107 = arith.constant 0 : i32
      %dma_start3A_108 = arith.constant 0 : i32
      %dma_start3A_109 = tpu.memref_slice %arg5[%dma_start3A_107, %dma_start3A_108] : memref<1000x64xf32, #tpu.memory_space<vmem_shared>> -> memref<1000x64xf32, #tpu.memory_space<vmem_shared>>
      tpu.enqueue_indirect_dma source(%dma_start3A_109 : memref<1000x64xf32, #tpu.memory_space<vmem_shared>>) target(%dma_start3A_103 : memref<100x64xf32, #tpu.memory_space<vmem>>) offsets(%dma_start3A_106 : memref<100xi32, #tpu.memory_space<vmem>>) semaphore(%arg11 : memref<!tpu.dma_semaphore, #tpu.memory_space<semaphore_mem>>)
      %mul3A_110 = arith.constant 200 : i32
      %mul3A_111 = arith.muli %mul3A_4, %mul3A_110 : i32
      %dma_wait3A = arith.constant 0 : i32
      %dma_wait3A_112 = tpu.memref_slice %arg4[%mul3A_111, %dma_wait3A] : memref<819200x128xf32, #tpu.memory_space<hbm>> -> memref<400x64xf32, #tpu.memory_space<hbm>>
      %dma_wait3A_113 = arith.constant 0 : i32
      %dma_wait3A_114 = tpu.memref_slice %arg4[%mul3A_111, %dma_wait3A_113] : memref<819200x128xf32, #tpu.memory_space<hbm>> -> memref<400x64xf32, #tpu.memory_space<hbm>>
      tpu.wait_dma2 semaphore(%arg10 : memref<!tpu.dma_semaphore, #tpu.memory_space<semaphore_mem>>) src(%dma_wait3A_114 : memref<400x64xf32, #tpu.memory_space<hbm>>) dst(%arg8 : memref<400x64xf32, #tpu.memory_space<vmem>>)
      %mul3A_115 = arith.constant 2 : i32
      %mul3A_116 = arith.muli %mul3A_55, %mul3A_115 : i32
      %add3A_117 = arith.addi %mul3A_4, %mul3A_116 : i32
      %mul3A_118 = arith.constant 200 : i32
      %mul3A_119 = arith.muli %add3A_117, %mul3A_118 : i32
      "tpu.region"() ({
        %run_scoped3A = tpu.sem_alloc : memref<!tpu.dma_semaphore, #tpu.memory_space<semaphore_mem>>
        %dma_start3A_139 = arith.constant 0 : i32
        %dma_start3A_140 = tpu.memref_slice %arg4[%mul3A_119, %dma_start3A_139] : memref<819200x128xf32, #tpu.memory_space<hbm>> -> memref<400x64xf32, #tpu.memory_space<hbm>>
        %dma_start3A_141 = arith.constant 0 : i32
        %dma_start3A_142 = tpu.memref_slice %arg4[%mul3A_119, %dma_start3A_141] : memref<819200x128xf32, #tpu.memory_space<hbm>> -> memref<400x64xf32, #tpu.memory_space<hbm>>
        tpu.enqueue_dma source(%arg8 : memref<400x64xf32, #tpu.memory_space<vmem>>) target(%dma_start3A_142 : memref<400x64xf32, #tpu.memory_space<hbm>>) target_semaphore(%run_scoped3A : memref<!tpu.dma_semaphore, #tpu.memory_space<semaphore_mem>>)
        %dma_wait3A_143 = arith.constant 0 : i32
        %dma_wait3A_144 = tpu.memref_slice %arg4[%mul3A_119, %dma_wait3A_143] : memref<819200x128xf32, #tpu.memory_space<hbm>> -> memref<400x64xf32, #tpu.memory_space<hbm>>
        %dma_wait3A_145 = arith.constant 0 : i32
        %dma_wait3A_146 = tpu.memref_slice %arg4[%mul3A_119, %dma_wait3A_145] : memref<819200x128xf32, #tpu.memory_space<hbm>> -> memref<400x64xf32, #tpu.memory_space<hbm>>
        tpu.wait_dma2 semaphore(%run_scoped3A : memref<!tpu.dma_semaphore, #tpu.memory_space<semaphore_mem>>) src(%arg8 : memref<400x64xf32, #tpu.memory_space<vmem>>) dst(%dma_wait3A_146 : memref<400x64xf32, #tpu.memory_space<hbm>>)
        tpu.yield
      }) : () -> ()
      %lt3A_120 = arith.constant 31 : i32
      %lt3A_121 = arith.cmpi slt, %scan3A_52, %lt3A_120 : i32
      %convert_element_type3A_122 = arith.extui %lt3A_121 : i1 to i32
      %cond3A_123 = arith.constant 0 : i32
      %cond3A_124 = arith.cmpi ne, %convert_element_type3A_122, %cond3A_123 : i32
      scf.if %cond3A_124 {
        %add3A_139 = arith.constant 2 : i32
        %add3A_140 = arith.addi %mul3A_55, %add3A_139 : i32
        %mul3A_141 = arith.constant 4 : i32
        %mul3A_142 = arith.muli %add3A_140, %mul3A_141 : i32
        %add3A_143 = arith.constant 0 : i32
        %add3A_144 = arith.addi %mul3A_142, %add3A_143 : i32
        %dma_start3A_145 = arith.constant 0 : i32
        %dma_start3A_146 = arith.constant 0 : i32
        %dma_start3A_147 = tpu.memref_slice %arg8[%dma_start3A_145, %dma_start3A_146] : memref<400x64xf32, #tpu.memory_space<vmem>> -> memref<100x64xf32, #tpu.memory_space<vmem>>
        %dma_start3A_148 = arith.constant 0 : i32
        %dma_start3A_149 = tpu.memref_slice %arg7[%add3A_144, %dma_start3A_148] : memref<256x100xi32, #tpu.memory_space<vmem>> -> memref<1x100xi32, #tpu.memory_space<vmem>>
        %dma_start3A_150 = tpu.memref_squeeze %dma_start3A_149 : memref<1x100xi32, #tpu.memory_space<vmem>> -> memref<100xi32, #tpu.memory_space<vmem>>
        %dma_start3A_151 = arith.constant 0 : i32
        %dma_start3A_152 = arith.constant 0 : i32
        %dma_start3A_153 = tpu.memref_slice %arg5[%dma_start3A_151, %dma_start3A_152] : memref<1000x64xf32, #tpu.memory_space<vmem_shared>> -> memref<1000x64xf32, #tpu.memory_space<vmem_shared>>
        tpu.enqueue_indirect_dma source(%dma_start3A_153 : memref<1000x64xf32, #tpu.memory_space<vmem_shared>>) target(%dma_start3A_147 : memref<100x64xf32, #tpu.memory_space<vmem>>) offsets(%dma_start3A_150 : memref<100xi32, #tpu.memory_space<vmem>>) semaphore(%arg10 : memref<!tpu.dma_semaphore, #tpu.memory_space<semaphore_mem>>)
        %mul3A_154 = arith.constant 4 : i32
        %mul3A_155 = arith.muli %add3A_140, %mul3A_154 : i32
        %add3A_156 = arith.constant 1 : i32
        %add3A_157 = arith.addi %mul3A_155, %add3A_156 : i32
        %dma_start3A_158 = arith.constant 100 : i32
        %dma_start3A_159 = arith.constant 0 : i32
        %dma_start3A_160 = tpu.memref_slice %arg8[%dma_start3A_158, %dma_start3A_159] : memref<400x64xf32, #tpu.memory_space<vmem>> -> memref<100x64xf32, #tpu.memory_space<vmem>>
        %dma_start3A_161 = arith.constant 0 : i32
        %dma_start3A_162 = tpu.memref_slice %arg7[%add3A_157, %dma_start3A_161] : memref<256x100xi32, #tpu.memory_space<vmem>> -> memref<1x100xi32, #tpu.memory_space<vmem>>
        %dma_start3A_163 = tpu.memref_squeeze %dma_start3A_162 : memref<1x100xi32, #tpu.memory_space<vmem>> -> memref<100xi32, #tpu.memory_space<vmem>>
        %dma_start3A_164 = arith.constant 0 : i32
        %dma_start3A_165 = arith.constant 0 : i32
        %dma_start3A_166 = tpu.memref_slice %arg5[%dma_start3A_164, %dma_start3A_165] : memref<1000x64xf32, #tpu.memory_space<vmem_shared>> -> memref<1000x64xf32, #tpu.memory_space<vmem_shared>>
        tpu.enqueue_indirect_dma source(%dma_start3A_166 : memref<1000x64xf32, #tpu.memory_space<vmem_shared>>) target(%dma_start3A_160 : memref<100x64xf32, #tpu.memory_space<vmem>>) offsets(%dma_start3A_163 : memref<100xi32, #tpu.memory_space<vmem>>) semaphore(%arg10 : memref<!tpu.dma_semaphore, #tpu.memory_space<semaphore_mem>>)
        %mul3A_167 = arith.constant 4 : i32
        %mul3A_168 = arith.muli %add3A_140, %mul3A_167 : i32
        %add3A_169 = arith.constant 2 : i32
        %add3A_170 = arith.addi %mul3A_168, %add3A_169 : i32
        %dma_start3A_171 = arith.constant 200 : i32
        %dma_start3A_172 = arith.constant 0 : i32
        %dma_start3A_173 = tpu.memref_slice %arg8[%dma_start3A_171, %dma_start3A_172] : memref<400x64xf32, #tpu.memory_space<vmem>> -> memref<100x64xf32, #tpu.memory_space<vmem>>
        %dma_start3A_174 = arith.constant 0 : i32
        %dma_start3A_175 = tpu.memref_slice %arg7[%add3A_170, %dma_start3A_174] : memref<256x100xi32, #tpu.memory_space<vmem>> -> memref<1x100xi32, #tpu.memory_space<vmem>>
        %dma_start3A_176 = tpu.memref_squeeze %dma_start3A_175 : memref<1x100xi32, #tpu.memory_space<vmem>> -> memref<100xi32, #tpu.memory_space<vmem>>
        %dma_start3A_177 = arith.constant 0 : i32
        %dma_start3A_178 = arith.constant 0 : i32
        %dma_start3A_179 = tpu.memref_slice %arg5[%dma_start3A_177, %dma_start3A_178] : memref<1000x64xf32, #tpu.memory_space<vmem_shared>> -> memref<1000x64xf32, #tpu.memory_space<vmem_shared>>
        tpu.enqueue_indirect_dma source(%dma_start3A_179 : memref<1000x64xf32, #tpu.memory_space<vmem_shared>>) target(%dma_start3A_173 : memref<100x64xf32, #tpu.memory_space<vmem>>) offsets(%dma_start3A_176 : memref<100xi32, #tpu.memory_space<vmem>>) semaphore(%arg10 : memref<!tpu.dma_semaphore, #tpu.memory_space<semaphore_mem>>)
        %mul3A_180 = arith.constant 4 : i32
        %mul3A_181 = arith.muli %add3A_140, %mul3A_180 : i32
        %add3A_182 = arith.constant 3 : i32
        %add3A_183 = arith.addi %mul3A_181, %add3A_182 : i32
        %dma_start3A_184 = arith.constant 300 : i32
        %dma_start3A_185 = arith.constant 0 : i32
        %dma_start3A_186 = tpu.memref_slice %arg8[%dma_start3A_184, %dma_start3A_185] : memref<400x64xf32, #tpu.memory_space<vmem>> -> memref<100x64xf32, #tpu.memory_space<vmem>>
        %dma_start3A_187 = arith.constant 0 : i32
        %dma_start3A_188 = tpu.memref_slice %arg7[%add3A_183, %dma_start3A_187] : memref<256x100xi32, #tpu.memory_space<vmem>> -> memref<1x100xi32, #tpu.memory_space<vmem>>
        %dma_start3A_189 = tpu.memref_squeeze %dma_start3A_188 : memref<1x100xi32, #tpu.memory_space<vmem>> -> memref<100xi32, #tpu.memory_space<vmem>>
        %dma_start3A_190 = arith.constant 0 : i32
        %dma_start3A_191 = arith.constant 0 : i32
        %dma_start3A_192 = tpu.memref_slice %arg5[%dma_start3A_190, %dma_start3A_191] : memref<1000x64xf32, #tpu.memory_space<vmem_shared>> -> memref<1000x64xf32, #tpu.memory_space<vmem_shared>>
        tpu.enqueue_indirect_dma source(%dma_start3A_192 : memref<1000x64xf32, #tpu.memory_space<vmem_shared>>) target(%dma_start3A_186 : memref<100x64xf32, #tpu.memory_space<vmem>>) offsets(%dma_start3A_189 : memref<100xi32, #tpu.memory_space<vmem>>) semaphore(%arg10 : memref<!tpu.dma_semaphore, #tpu.memory_space<semaphore_mem>>)
      } else {
      }
      %mul3A_125 = arith.constant 200 : i32
      %mul3A_126 = arith.muli %mul3A_4, %mul3A_125 : i32
      %dma_wait3A_127 = arith.constant 0 : i32
      %dma_wait3A_128 = tpu.memref_slice %arg4[%mul3A_126, %dma_wait3A_127] : memref<819200x128xf32, #tpu.memory_space<hbm>> -> memref<400x64xf32, #tpu.memory_space<hbm>>
      %dma_wait3A_129 = arith.constant 0 : i32
      %dma_wait3A_130 = tpu.memref_slice %arg4[%mul3A_126, %dma_wait3A_129] : memref<819200x128xf32, #tpu.memory_space<hbm>> -> memref<400x64xf32, #tpu.memory_space<hbm>>
      tpu.wait_dma2 semaphore(%arg11 : memref<!tpu.dma_semaphore, #tpu.memory_space<semaphore_mem>>) src(%dma_wait3A_130 : memref<400x64xf32, #tpu.memory_space<hbm>>) dst(%arg9 : memref<400x64xf32, #tpu.memory_space<vmem>>)
      %add3A_131 = arith.constant 1 : i32
      %add3A_132 = arith.addi %mul3A_55, %add3A_131 : i32
      %mul3A_133 = arith.constant 2 : i32
      %mul3A_134 = arith.muli %add3A_132, %mul3A_133 : i32
      %add3A_135 = arith.addi %mul3A_4, %mul3A_134 : i32
      %mul3A_136 = arith.constant 200 : i32
      %mul3A_137 = arith.muli %add3A_135, %mul3A_136 : i32
      "tpu.region"() ({
        %run_scoped3A = tpu.sem_alloc : memref<!tpu.dma_semaphore, #tpu.memory_space<semaphore_mem>>
        %dma_start3A_139 = arith.constant 0 : i32
        %dma_start3A_140 = tpu.memref_slice %arg4[%mul3A_137, %dma_start3A_139] : memref<819200x128xf32, #tpu.memory_space<hbm>> -> memref<400x64xf32, #tpu.memory_space<hbm>>
        %dma_start3A_141 = arith.constant 0 : i32
        %dma_start3A_142 = tpu.memref_slice %arg4[%mul3A_137, %dma_start3A_141] : memref<819200x128xf32, #tpu.memory_space<hbm>> -> memref<400x64xf32, #tpu.memory_space<hbm>>
        tpu.enqueue_dma source(%arg9 : memref<400x64xf32, #tpu.memory_space<vmem>>) target(%dma_start3A_142 : memref<400x64xf32, #tpu.memory_space<hbm>>) target_semaphore(%run_scoped3A : memref<!tpu.dma_semaphore, #tpu.memory_space<semaphore_mem>>)
        %dma_wait3A_143 = arith.constant 0 : i32
        %dma_wait3A_144 = tpu.memref_slice %arg4[%mul3A_137, %dma_wait3A_143] : memref<819200x128xf32, #tpu.memory_space<hbm>> -> memref<400x64xf32, #tpu.memory_space<hbm>>
        %dma_wait3A_145 = arith.constant 0 : i32
        %dma_wait3A_146 = tpu.memref_slice %arg4[%mul3A_137, %dma_wait3A_145] : memref<819200x128xf32, #tpu.memory_space<hbm>> -> memref<400x64xf32, #tpu.memory_space<hbm>>
        tpu.wait_dma2 semaphore(%run_scoped3A : memref<!tpu.dma_semaphore, #tpu.memory_space<semaphore_mem>>) src(%arg9 : memref<400x64xf32, #tpu.memory_space<vmem>>) dst(%dma_wait3A_146 : memref<400x64xf32, #tpu.memory_space<hbm>>)
        tpu.yield
      }) : () -> ()
      %scan3A_138 = arith.constant 0 : i32
      scf.yield %scan3A_138 : i32
    }
    %scan3A_51 = arith.constant 32 : i32
    return
  }
}

</mosaic_0001>

<sc_bundles>
// kernel: kernel.3.cloned.1.call-start
scs
__scs_entry_jumppad:
0x0: {  	(pc) =	sbr.rel $0x88, $3  }
0x1: {  	(tag) =	ssettag $0x0;
	lr =	simm.s32 $0x1  }
0x2: {  	[smem:$0x3F9F] =	sst lr;
	_ =	strace $0xD0000000  }
0x3: {  	_ = 	snop  }
0x4: {  	_ = 	snop  }
0x5: {  	_ = 	snop  }
0x6: {  	_ = 	snop  }
0x7: {  	_ = 	snop  }
__scs_overlays_trampoline_lowered:
0x8: {  	[smem:$0x3FAE] =	sst s0  }
0x9: {  	[smem:$0x3FAF] =	sst s1  }
0xa: {  	[smem:$0x3FB0] =	sst s2  }
0xb: {  	[smem:$0x3FB1] =	sst s3  }
0xc: {  	[smem:$0x3FB2] =	sst s4  }
0xd: {  	[smem:$0x3FB3] =	sst s5  }
0xe: {  	[smem:$0x3FB4] =	sst s6  }
0xf: {  	[smem:$0x3FB5] =	sst s7  }
0x10: {  	[smem:$0x3FB6] =	sst s8  }
0x11: {  	[smem:$0x3FB7] =	sst s9;
	s0 =	simm.s32 @!p0 $0x0  }
0x12: {  	s1 =	sld [smem:$0x3F9D];
	s0 =	simm.s32 @p0 $0x1  }
0x13: {  	[smem:$0x3FB8] =	sst s0;
	s0 =	simm.s32 @!p1 $0x0  }
0x14: {  	s2 =	sld [smem:$0x3F9C];
	s0 =	simm.s32 @p1 $0x1  }
0x15: {  	[smem:$0x3FB9] =	sst s0;
	s0 =	simm.s32 @!p2 $0x0  }
0x16: {  	s3 =	sld [smem:$0x3FDB];
	s0 =	simm.s32 @p2 $0x1  }
0x17: {  	s4 =	simm.s32 $0x1BF5;
	[smem:$0x3FBB] =	sst s0  }
0x18: {  	s0 =	sld [smem:$0x3F9E];
	_ =	swait.ge [sflag:s4], $0x0  }
0x19: {  	s7 =	sld [smem:$0x3F9F]  }
0x1a: {  	s8 =	sadd.s32 $0xFFFFE003, lr  }
0x1b: {  	s9 =	sadd.s32 $0xFFFFFEF7, lr;
	s5 =	simm.s32 $0xFFFFFFFF;
	p2 =	slt.u32 s8, $0xFFFFF086  }
0x1c: {  	p1 =	slt.u32 s9, $0xF7A;
	s5 =	simm.s32 @!p2 $0x0  }
0x1d: {  	s5 =	simm.s32 @p1 $0x1;
	p0 =	seq.s32 s7, s2  }
0x1e: {  	s7 =	smul.u32 @!p0 $0xF7A, s2;
	p2 =	seq.s32 @!p0 s5, $0x0  }
0x1f: {  	s9 =	smul.u32 $0xF7A, s1;
	s8 =	simm.s32 @!p0 $0x1BF5;
	p2 =	por !p2, p0  }
0x20: {  	[sflag:s8] =	ssyncset.s32 @!p0 $0xFFFFF086;
	s6 =	sadd.s32 @!p0 s3, s7;
	s7 =	simm.s32 @!p0 $0x108  }
0x21: {  	s3 =	sadd.s32 s3, s9;
	s6 =	sadd.s32 @!p0 $0x88, s6;
	s7 =	simm.s32 @p2 $0x1082  }
0x22: {  	[simem:s7], [sflag:s8] =	dma.local @!p0 [hbm:s6], $0xF7A  }
0x23: {  	s9 =	sor.u32 $0xD0000000, s2;
	s6 =	simm.s32 $0x108;
	_ =	swait.ge @!p0 [sflag:s8], $0x0  }
0x24: {  	s3 =	sadd.s32 $0x88, s3;
	s6 =	simm.s32 @!p1 $0x1082;
	[sflag:s4] =	ssyncset.s32 $0xFFFFF086  }
0x25: {  	[simem:s6], [sflag:s4] =	dma.local [hbm:s3], $0xF7A  }
0x26: {  	[smem:$0x3F9F] =	sst s1;
	(tag) =	ssettag s2;
	_ =	strace s9  }
0x27: {  	s1 =	sld [smem:$0x3FAF]  }
0x28: {  	s2 =	sld [smem:$0x3FB0]  }
0x29: {  	s4 =	sld [smem:$0x3FB2]  }
0x2a: {  	p0 =	seq.s32 s5, $0x0;
	s5 =	sld [smem:$0x3FB3]  }
0x2b: {  	s6 =	sld [smem:$0x3FB4]  }
0x2c: {  	s7 =	sld [smem:$0x3FB5]  }
0x2d: {  	s3 =	simm.s32 $0x108;
	s8 =	sld [smem:$0x3FB6]  }
0x2e: {  	s3 =	simm.s32 @!p0 $0x1082;
	s9 =	sld [smem:$0x3FB7]  }
0x2f: {  	lr =	sadd.s32 s0, s3;
	s0 =	sld [smem:$0x3FAE]  }
0x30: {  	s3 =	sld [smem:$0x3FB1]  }
0x31: {  	[smem:$0x3FBA] =	sst s10  }
0x32: {  	s10 =	sld [smem:$0x3FB8];
	_ =	sdelay $0x3  }
0x33: {  	p0 =	seq.s32 s10, $0x1;
	s10 =	sld [smem:$0x3FBA];
	_ =	sdelay $0x3  }
0x34: {  	[smem:$0x3FBA] =	sst s10  }
0x35: {  	s10 =	sld [smem:$0x3FB9];
	_ =	sdelay $0x3  }
0x36: {  	p1 =	seq.s32 s10, $0x1;
	s10 =	sld [smem:$0x3FBA];
	_ =	sdelay $0x3  }
0x37: {  	[smem:$0x3FBA] =	sst s10  }
0x38: {  	s10 =	sld [smem:$0x3FBB]  }
0x39: {  	_ = 	snop;
	(pc) =	sbr.ind lr, $3  }
0x3a: {  	_ = 	snop  }
0x3b: {  	_ = 	snop  }
0x3c: {  	p2 =	seq.s32 s10, $0x1;
	s10 =	sld [smem:$0x3FBA]  }
0x3d: {  	_ =	shalt  }
0x3e: {  	_ =	shalt  }
0x3f: {  	_ =	shalt  }
0x40: {  	_ =	shalt  }
0x41: {  	_ =	shalt  }
0x42: {  	_ =	shalt  }
0x43: {  	_ =	shalt  }
0x44: {  	_ =	shalt  }
0x45: {  	_ =	shalt  }
0x46: {  	_ =	shalt  }
0x47: {  	_ =	shalt  }
0x48: {  	_ =	shalt  }
0x49: {  	_ =	shalt  }
0x4a: {  	_ =	shalt  }
0x4b: {  	_ =	shalt  }
0x4c: {  	_ =	shalt  }
0x4d: {  	_ =	shalt  }
0x4e: {  	_ =	shalt  }
0x4f: {  	_ =	shalt  }
0x50: {  	_ =	shalt  }
0x51: {  	_ =	shalt  }
0x52: {  	_ =	shalt  }
0x53: {  	_ =	shalt  }
0x54: {  	_ =	shalt  }
0x55: {  	_ =	shalt  }
0x56: {  	_ =	shalt  }
0x57: {  	_ =	shalt  }
0x58: {  	_ =	shalt  }
0x59: {  	_ =	shalt  }
0x5a: {  	_ =	shalt  }
0x5b: {  	_ =	shalt  }
0x5c: {  	_ =	shalt  }
0x5d: {  	_ =	shalt  }
0x5e: {  	_ =	shalt  }
0x5f: {  	_ =	shalt  }
0x60: {  	_ =	shalt  }
0x61: {  	_ =	shalt  }
0x62: {  	_ =	shalt  }
0x63: {  	_ =	shalt  }
0x64: {  	_ =	shalt  }
0x65: {  	_ =	shalt  }
0x66: {  	_ =	shalt  }
0x67: {  	_ =	shalt  }
0x68: {  	_ =	shalt  }
0x69: {  	_ =	shalt  }
0x6a: {  	_ =	shalt  }
0x6b: {  	_ =	shalt  }
0x6c: {  	_ =	shalt  }
0x6d: {  	_ =	shalt  }
0x6e: {  	_ =	shalt  }
0x6f: {  	_ =	shalt  }
0x70: {  	_ =	shalt  }
0x71: {  	_ =	shalt  }
0x72: {  	_ =	shalt  }
0x73: {  	_ =	shalt  }
0x74: {  	_ =	shalt  }
0x75: {  	_ =	shalt  }
0x76: {  	_ =	shalt  }
0x77: {  	_ =	shalt  }
0x78: {  	_ =	shalt  }
0x79: {  	_ =	shalt  }
0x7a: {  	_ =	shalt  }
0x7b: {  	_ =	shalt  }
0x7c: {  	_ =	shalt  }
0x7d: {  	_ =	shalt  }
0x7e: {  	_ =	shalt  }
0x7f: {  	_ =	shalt  }
0x80: {  	_ =	shalt  }
0x81: {  	_ =	shalt  }
0x82: {  	_ =	shalt  }
0x83: {  	_ =	shalt  }
0x84: {  	_ =	shalt  }
0x85: {  	_ =	shalt  }
0x86: {  	_ =	shalt  }
0x87: {  	_ =	shalt  }
.Lfunc_end0:
.L_simem_size_0:
called_computation.1_lowered:
.L_overlay_start_0:
0x88: {  	s2 =	sld [smem:$0x3FD9]  }
0x89: {  	s3 =	sld [smem:$0x3FFE];
	_ =	sdelay $0x1  }
0x8a: {  	s1 =	srdreg.scid  }
0x8b: {  	s0 =	sand.u32 $0x1, s1  }
0x8c: {  	s17 =	sshll.u32 s0, $0xA;
	s2 =	sadd.s32 s3, s2  }
0x8d: {  	s2 =	sadd.s32 s2, s17  }
0x8e: {  	[smem:$0x3FC6] =	sst s2  }
0x8f: {  	_ = 	snop  }
0x90: {  	s2 =	sld [smem:$0x3FD0];
	(tm) =	ssettm $0x1  }
0x91: {  	s18 =	sld [smem:$0x3FFB];
	_ =	sdelay $0x3  }
0x92: {  	_ =	strace s18  }
0x93: {  	s3 =	sld [smem:$0x3FFC];
	_ =	sdelay $0x3  }
0x94: {  	_ =	strace s3  }
0x95: {  	s3 =	sld [smem:$0x3FFD];
	_ =	sdelay $0x3  }
0x96: {  	_ =	strace s3  }
0x97: {  	_ =	strace $0x8FFFFFFF  }
0x98: {  	s19 =	sld [smem:$0x3FDB];
	_ =	sdelay $0x1  }
0x99: {  	s4 =	simm.s32 $_scs_section_size  }
0x9a: {  	s5 =	simm.s32 $_size__tile_overlayer_lowered;
	s6 =	simm.s32 $_tile_overlayer_lowered  }
0x9b: {  	s22 =	simm.s32 $0x1BFF;
	s21 =	sshll.u32 s6, $0x1;
	s3 =	sadd.s32 s4, s19  }
0x9c: {  	s7 =	simm.s32 $0x0;
	s20 =	sshll.u32 s5, $0x1;
	s5 =	sadd.s32 s21, s3  }
0x9d: {  	[timem:s7], [sflag:s22] =	dma.local [hbm:s5], s20  }
0x9e: {  	_ =	swait.ge [sflag:s22], s20  }
0x9f: {  	s4 =	ssub.s32 $0x0, s20;
	[sflag:s22] =	ssyncset.done $0x0  }
0xa0: {  	[sflag:s22] =	ssyncadd.s32 s4;
	_ =	sdelay $0x1  }
0xa1: {  	s23 =	simm.s32 $0x1B8B  }
0xa2: {  	_ =	swait.ge [sflag:s23], $0x1  }
0xa3: {  	[sflag:s23] =	ssyncset.done $0x0  }
0xa4: {  	s25 =	simm.s32 $0x1B8E;
	s24 =	sld [smem:$0x3FFE];
	[sflag:s23] =	ssyncadd.s32 $0xFFFFFFFF  }
0xa5: {  	s26 =	simm.s32 $execute0_lowered;
	[smem:$0x3FD2] =	sst s25  }
0xa6: {  	s5 =	sshll.u32 s26, $0x1;
	_ =	strace $0x80000046;
	[dreg:$0x1] =	wrdreg $0xFFFFFFFF  }
0xa7: {  	s28 =	simm.s32 $_size_execute0_lowered;
	s3 =	sadd.s32 s3, s5;
	[dreg:$0x0] =	wrdreg $0x0  }
0xa8: {  	s5 =	sshll.u32 s28, $0x1;
	[dreg:$0x2] =	wrdreg s3  }
0xa9: {  	[dreg:$0x3] =	wrdreg s5  }
0xaa: {  	[dreg:$0x4] =	wrdreg $0xC0  }
0xab: {  	_ =	task [dreg:s7], $0x5FFFF  }
0xac: {  	[dreg:$0x1] =	wrdreg $0xFFFFFFFF  }
0xad: {  	[dreg:$0x0] =	wrdreg $0x60  }
0xae: {  	[dreg:$0x2] =	wrdreg s2  }
0xaf: {  	[dreg:$0x3] =	wrdreg s24  }
0xb0: {  	[dreg:$0x4] =	wrdreg $0x0  }
0xb1: {  	[dreg:$0x5] =	wrdreg $0x9  }
0xb2: {  	_ =	task.clear_ibuf [dreg:s7], $0x6FFFF;
	_ =	strace $0x90000046  }
0xb3: {  	s29 =	simm.s32 $0x9;
	_ =	strace $0x80000048  }
0xb4: {  	_ =	swait.ge [sflag:s29], $0x1  }
0xb5: {  	[sflag:s29] =	ssyncadd.s32 $0xFFFFFFFF  }
0xb6: {  	_ =	strace $0x90000048  }
0xb7: {  	_ =	sfence  }
0xb8: {  	s30 =	sld [smem:$0x0];
	_ =	sdelay $0x2  }
0xb9: {  	s31 =	sshll.u32 s1, $0xD;
	s1 =	sshrl.u32 s1, $0x2  }
0xba: {  	s3 =	sand.u32 $0x4000, s31;
	s1 =	sadd.s32 s1, s30  }
0xbb: {  	s0 =	sor.u32 s3, s0;
	s1 =	sshll.u32 s1, $0x11  }
0xbc: {  	s0 =	sor.u32 s1, s0  }
0xbd: {  	s0 =	sadd.s32 $0x8F2B, s0  }
0xbe: {  	[sflag:s0] =	ssyncadd.remote.s32 $0x1  }
0xbf: {  	_ =	sfence.sel $0xFFFF  }
0xc0: {  	[dreg:$0x0] =	wrdreg $0xFFFFFFFF;
	(pc) =	sbr.abs _section_cstart, $3  }
0xc1: {  	[dreg:$0x1] =	wrdreg $0xFFFFFFFF  }
0xc2: {  	_ =	task.clear_ibuf [dreg:s7], $0x2FFFF;
	_ =	strace $0x9FFFFFFF  }
0xc3: {  	(tm) =	ssettm $0x7FFFFFFF  }
tec
execute0_lowered:
.L_overlay_start_1:
0x0: {  	(tag) =	ssettag $0x1  }
0x1: {  	s0 =	rddreg [dreg:$0x0]  }
0x2: {  	s1 =	rddreg [dreg:$0x1]  }
0x3: {  	s2 =	rddreg [dreg:$0x2];
	s12 =	stileid.u32  }
0x4: {  	s3 =	simm.s32 $0x0;
	s5 =	srdreg.scid;
	s13 =	simm.s32 $0x2EE0  }
0x5: {  	s14 =	simm.s32 $0x64;
	s15 =	simm.s32 $0x96E0;
	s17 =	simm.s32 $0xAFE0  }
0x6: {  	s19 =	simm.s32 $0xC8E0;
	s21 =	simm.s32 $0xE1E0;
	s22 =	simm.s32 $0xFAE0  }
0x7: {  	s23 =	simm.s32 $0x113E0;
	s28 =	simm.s32 $0x40;
	s29 =	simm.s32 $0x80  }
0x8: {  	s30 =	simm.s32 $0x2;
	s4 =	smul.u32 $0x1F40, s12;
	[smem:$0x7FF] =	sst s3  }
0x9: {  	s5 =	sand.u32 $0x1, s5;
	s6 =	sshll.u32 s12, $0x1;
	s25 =	smul.u32 $0xC8000, s12  }
0xa: {  	p0 =	sgt.u32 s12, $0x7;
	s12 =	simm.s32 $0x3;
	_ =	strace $0x80000047  }
0xb: {  	s6 =	sor.u32 s5, s6;
	s8 =	ssub.s32 $0x2, s5;
	s26 =	smul.u32 $0x64000, s5  }
0xc: {  	s7 =	sshrl.u32 s4, $0x3;
	s9 =	smul.u32 $0xD00, s6;
	s10 =	sshrl.u32 s8, $0x1  }
0xd: {  	s11 =	smul.u32 $0x64000, s6;
	s4 =	sadd.s32 s4, s2;
	s7 =	sadd.s32 s7, s1  }
0xe: {  	s1 =	sadd.s32 $0x2800, s1;
	s8 =	ssub.s32 s8, s10;
	[dreg:$0x5] =	wrdreg s4  }
0xf: {  	s4 =	simm.s32 $0x9678;
	s24 =	sadd.s32 $0x800, s7;
	s6 =	sadd.s32 s0, s9  }
0x10: {  	s7 =	smax.u32 s8, $0x1;
	s31 =	sadd.s32 s1, s11;
	s1 =	sadd.s32 s25, s1  }
0x11: {  	s25 =	simm.s32 $0x145E0;
	s0 =	simm.s32 $0x95A8;
	[dreg:$0x4] =	wrdreg s24  }
0x12: {  	s8 =	sadd.s32 $0x60E00, s31;
	s9 =	sadd.s32 $0x62700, s31;
	s10 =	sadd.s32 s26, s1  }
0x13: {  	s24 =	simm.s32 $0x12CE0;
	s26 =	simm.s32 $0x1;
	s1 =	simm.s32 $0x9610  }
.LBB2_1:
.Ltmp0:
0x14: {  	(pc) =	sbr.rel @p0 .LBB2_5-.Ltmp0, $1  }
0x15: {  	_ =	sdelay $0x3  }
0x16: {  	s5 =	simm.s32 $0x0;
	s11 =	rddreg [dreg:$0x4];
	s16 =	simm.s32 $0xFA0  }
0x17: {  	[tilespmem:s16], [sflag:$0x3] =	stream.linear.gather [hbm4b:s11+s5], $0x1F40, $0x38;
	[tilespmem:$0x15EE0] =	vst v63  }
0x18: {  	_ =	swait.ge [sflag:s12], $0x1F40  }
0x19: {  	[sflag:s12] =	ssyncset.done $0x0  }
0x1a: {  	s5 =	simm.s32 $0x0;
	[sflag:s12] =	ssyncadd.s32 $0xFFFFE0C0  }
0x1b: {  	v2 =	vld [tilespmem:s5+$0xFA0]  }
0x1c: {  	v1 =	vld [tilespmem:s5+$0xFB0]  }
0x1d: {  	s11 =	simm.s32 $0x100;
	v0 =	vld [tilespmem:s5+$0xFC0]  }
.LBB2_3:
0x1e: {  	p1 =	sne.s32 s11, $0x7C00;
	v3 =	vld [tilespmem:s5+$0xFD0];
	_ =	sdelay $0x1  }
.Ltmp1:
0x1f: {  	v2 =	vmax.f32 v2, $0.0e+00;
	(pc) =	sbr.rel @p1 .LBB2_3-.Ltmp1, $4  }
0x20: {  	s16 =	sshra.s32 s11, $0x2;
	[tilespmem:s5+$0xFA0] =	vst v2;
	v1 =	vmax.f32 v1, $0.0e+00  }
0x21: {  	v2 =	vld [tilespmem:s16+$0xFA0];
	[tilespmem:s5+$0xFB0] =	vst v1;
	v0 =	vmax.f32 v0, $0.0e+00  }
0x22: {  	v1 =	vld [tilespmem:s16+$0xFB0];
	[tilespmem:s5+$0xFC0] =	vst v0;
	v3 =	vmax.f32 v3, $0.0e+00  }
0x23: {  	s11 =	sadd.s32 $0x100, s11;
	v0 =	vld [tilespmem:s16+$0xFC0];
	[tilespmem:s5+$0xFD0] =	vst v3;
	s5 =	smov.u32 s16  }
0x24: {  	v3 =	vld [tilespmem:s5+$0xFD0];
	_ =	sdelay $0x1  }
0x25: {  	v2 =	vmax.f32 v2, $0.0e+00  }
0x26: {  	[tilespmem:s5+$0xFA0] =	vst v2;
	v1 =	vmax.f32 v1, $0.0e+00  }
0x27: {  	[tilespmem:s5+$0xFB0] =	vst v1;
	v0 =	vmax.f32 v0, $0.0e+00  }
0x28: {  	[tilespmem:s5+$0xFC0] =	vst v0;
	v63 =	vmax.f32 v3, $0.0e+00  }
0x29: {  	s31 =	rddreg [dreg:$0x5];
	s11 =	simm.s32 $0xFA0;
	[tilespmem:s5+$0xFD0] =	vst v63  }
0x2a: {  	[spmem:s31] =	stream.linear.scatter [tilespmem:s11], [sflag:$0x3], $0x1F40, $0x38;
	[tilespmem:$0x15EE0] =	vst v63  }
0x2b: {  	_ =	swait.ge [sflag:s12], $0x1F40  }
0x2c: {  	[sflag:s12] =	ssyncset.done $0x0  }
0x2d: {  	[sflag:s12] =	ssyncadd.s32 $0xFFFFE0C0  }
.LBB2_5:
0x2e: {  	s5 =	simm.s32 $0x0  }
0x2f: {  	[tilespmem:s13], [sflag:$0x3] =	stream.linear.gather [hbm4b:s6+s5], $0x6800, $0x38;
	[tilespmem:$0x15EE0] =	vst v63  }
0x30: {  	_ =	swait.ge [sflag:s12], $0x6800  }
0x31: {  	[sflag:s12] =	ssyncset.done $0x0  }
0x32: {  	[sflag:s12] =	ssyncadd.s32 $0xFFFF9800  }
0x33: {  	[bflag:$0x0] =	sbarrier.arrive $0xFFFF  }
0x34: {  	[tilespmem:s15], [sflag:$0x1] =	stream.indirect.gather [spmem:s2], $0x40, s13, s14, $0xb8;
	[tilespmem:$0x15EE0] =	vst v63  }
0x35: {  	s20 =	simm.s32 $0x2F48  }
0x36: {  	[tilespmem:s17], [sflag:$0x1] =	stream.indirect.gather [spmem:s2], $0x40, s20, s14, $0xb8;
	[tilespmem:$0x15EE0] =	vst v63  }
0x37: {  	s31 =	simm.s32 $0x2FB0  }
0x38: {  	[tilespmem:s19], [sflag:$0x1] =	stream.indirect.gather [spmem:s2], $0x40, s31, s14, $0xb8;
	[tilespmem:$0x15EE0] =	vst v63  }
0x39: {  	s11 =	simm.s32 $0x3018  }
0x3a: {  	[tilespmem:s21], [sflag:$0x1] =	stream.indirect.gather [spmem:s2], $0x40, s11, s14, $0xb8;
	[tilespmem:$0x15EE0] =	vst v63  }
0x3b: {  	s16 =	simm.s32 $0x3080  }
0x3c: {  	[tilespmem:s22], [sflag:$0x2] =	stream.indirect.gather [spmem:s2], $0x40, s16, s14, $0xb8;
	[tilespmem:$0x15EE0] =	vst v63  }
0x3d: {  	s18 =	simm.s32 $0x30E8  }
0x3e: {  	[tilespmem:s23], [sflag:$0x2] =	stream.indirect.gather [spmem:s2], $0x40, s18, s14, $0xb8;
	[tilespmem:$0x15EE0] =	vst v63  }
0x3f: {  	s20 =	simm.s32 $0x3150  }
0x40: {  	[tilespmem:s24], [sflag:$0x2] =	stream.indirect.gather [spmem:s2], $0x40, s20, s14, $0xb8;
	[tilespmem:$0x15EE0] =	vst v63  }
0x41: {  	s31 =	simm.s32 $0x31B8  }
0x42: {  	[tilespmem:s25], [sflag:$0x2] =	stream.indirect.gather [spmem:s2], $0x40, s31, s14, $0xb8;
	[tilespmem:$0x15EE0] =	vst v63  }
0x43: {  	_ =	swait.ge [sflag:s26], $0x6400  }
0x44: {  	[sflag:s26] =	ssyncset.done $0x0  }
0x45: {  	[sflag:s26] =	ssyncadd.s32 $0xFFFF9C00  }
0x46: {  	[hbm4b:s10+s28] =	stream.strided.scatter [tilespmem:s15], [sflag:$0x3], $0x6400, s29, s28, $0x38;
	[tilespmem:$0x15EE0] =	vst v63  }
0x47: {  	_ =	swait.ge [sflag:s12], $0x6400  }
0x48: {  	[sflag:s12] =	ssyncset.done $0x0  }
0x49: {  	s11 =	simm.s32 $0x3220;
	[sflag:s12] =	ssyncadd.s32 $0xFFFF9C00  }
0x4a: {  	[tilespmem:s15], [sflag:$0x1] =	stream.indirect.gather [spmem:s2], $0x40, s11, s14, $0xb8;
	[tilespmem:$0x15EE0] =	vst v63  }
0x4b: {  	s16 =	simm.s32 $0x3288  }
0x4c: {  	[tilespmem:s17], [sflag:$0x1] =	stream.indirect.gather [spmem:s2], $0x40, s16, s14, $0xb8;
	[tilespmem:$0x15EE0] =	vst v63  }
0x4d: {  	s18 =	simm.s32 $0x32F0  }
0x4e: {  	[tilespmem:s19], [sflag:$0x1] =	stream.indirect.gather [spmem:s2], $0x40, s18, s14, $0xb8;
	[tilespmem:$0x15EE0] =	vst v63  }
0x4f: {  	s20 =	simm.s32 $0x3358  }
0x50: {  	[tilespmem:s21], [sflag:$0x1] =	stream.indirect.gather [spmem:s2], $0x40, s20, s14, $0xb8;
	[tilespmem:$0x15EE0] =	vst v63  }
0x51: {  	_ =	swait.ge [sflag:s30], $0x6400  }
0x52: {  	[sflag:s30] =	ssyncset.done $0x0  }
0x53: {  	s31 =	sadd.s32 $0x1900, s10;
	[sflag:s30] =	ssyncadd.s32 $0xFFFF9C00  }
0x54: {  	[hbm4b:s31+s28] =	stream.strided.scatter [tilespmem:s22], [sflag:$0x3], $0x6400, s29, s28, $0x38;
	[tilespmem:$0x15EE0] =	vst v63  }
0x55: {  	s5 =	sadd.s32 $0x3200, s10;
	_ =	swait.ge [sflag:s12], $0x6400  }
0x56: {  	s11 =	simm.s32 $0x340;
	s16 =	simm.s32 $0x1A00;
	[sflag:s12] =	ssyncset.done $0x0  }
.LBB2_6:
0x57: {  	s18 =	sadd.s32 $0x3080, s11  }
0x58: {  	[sflag:s12] =	ssyncadd.s32 $0xFFFF9C00;
	s20 =	smov.u32 s16;
	s31 =	sadd.s32 $0xD00, s16  }
0x59: {  	[tilespmem:s22], [sflag:$0x2] =	stream.indirect.gather [spmem:s2], $0x40, s18, s14, $0xb8;
	[tilespmem:$0x15EE0] =	vst v63  }
0x5a: {  	p1 =	sne.s32 s16, $0x18600;
	s16 =	sadd.s32 $0x30E8, s11  }
0x5b: {  	[tilespmem:s23], [sflag:$0x2] =	stream.indirect.gather [spmem:s2], $0x40, s16, s14, $0xb8;
	[tilespmem:$0x15EE0] =	vst v63  }
0x5c: {  	s16 =	sadd.s32 $0x3150, s11  }
0x5d: {  	[tilespmem:s24], [sflag:$0x2] =	stream.indirect.gather [spmem:s2], $0x40, s16, s14, $0xb8;
	[tilespmem:$0x15EE0] =	vst v63  }
0x5e: {  	s16 =	sadd.s32 $0x31B8, s11  }
0x5f: {  	[tilespmem:s25], [sflag:$0x2] =	stream.indirect.gather [spmem:s2], $0x40, s16, s14, $0xb8;
	[tilespmem:$0x15EE0] =	vst v63  }
0x60: {  	_ =	swait.ge [sflag:s26], $0x6400  }
0x61: {  	[sflag:s26] =	ssyncset.done $0x0  }
0x62: {  	[sflag:s26] =	ssyncadd.s32 $0xFFFF9C00  }
0x63: {  	[hbm4b:s5+s28] =	stream.strided.scatter [tilespmem:s15], [sflag:$0x3], $0x6400, s29, s28, $0x38;
	[tilespmem:$0x15EE0] =	vst v63  }
0x64: {  	_ =	swait.ge [sflag:s12], $0x6400  }
0x65: {  	[sflag:s12] =	ssyncset.done $0x0  }
0x66: {  	s16 =	sadd.s32 $0x3220, s11;
	[sflag:s12] =	ssyncadd.s32 $0xFFFF9C00  }
0x67: {  	[tilespmem:s15], [sflag:$0x1] =	stream.indirect.gather [spmem:s2], $0x40, s16, s14, $0xb8;
	[tilespmem:$0x15EE0] =	vst v63  }
0x68: {  	s16 =	sadd.s32 $0x3288, s11  }
0x69: {  	[tilespmem:s17], [sflag:$0x1] =	stream.indirect.gather [spmem:s2], $0x40, s16, s14, $0xb8;
	[tilespmem:$0x15EE0] =	vst v63  }
0x6a: {  	s16 =	sadd.s32 $0x32F0, s11  }
0x6b: {  	[tilespmem:s19], [sflag:$0x1] =	stream.indirect.gather [spmem:s2], $0x40, s16, s14, $0xb8;
	[tilespmem:$0x15EE0] =	vst v63  }
0x6c: {  	s11 =	sadd.s32 $0x3358, s11  }
0x6d: {  	[tilespmem:s21], [sflag:$0x1] =	stream.indirect.gather [spmem:s2], $0x40, s11, s14, $0xb8;
	[tilespmem:$0x15EE0] =	vst v63  }
0x6e: {  	_ =	swait.ge [sflag:s30], $0x6400  }
.Ltmp2:
0x6f: {  	[sflag:s30] =	ssyncset.done $0x0;
	(pc) =	sbr.rel @p1 .LBB2_6-.Ltmp2, $4  }
0x70: {  	s11 =	sadd.s32 $0x1900, s5;
	[sflag:s30] =	ssyncadd.s32 $0xFFFF9C00  }
0x71: {  	[hbm4b:s11+s28] =	stream.strided.scatter [tilespmem:s22], [sflag:$0x3], $0x6400, s29, s28, $0x38;
	[tilespmem:$0x15EE0] =	vst v63  }
0x72: {  	s16 =	smov.u32 s31;
	_ =	swait.ge [sflag:s12], $0x6400  }
0x73: {  	s5 =	sadd.s32 $0x3200, s5;
	s11 =	sshra.s32 s20, $0x2;
	[sflag:s12] =	ssyncset.done $0x0  }
0x74: {  	s16 =	sadd.s32 $0x3080, s11;
	[sflag:s12] =	ssyncadd.s32 $0xFFFF9C00  }
0x75: {  	[tilespmem:s22], [sflag:$0x2] =	stream.indirect.gather [spmem:s2], $0x40, s16, s14, $0xb8;
	[tilespmem:$0x15EE0] =	vst v63  }
0x76: {  	s18 =	sadd.s32 $0x30E8, s11  }
0x77: {  	[tilespmem:s23], [sflag:$0x2] =	stream.indirect.gather [spmem:s2], $0x40, s18, s14, $0xb8;
	[tilespmem:$0x15EE0] =	vst v63  }
0x78: {  	s20 =	sadd.s32 $0x3150, s11  }
0x79: {  	[tilespmem:s24], [sflag:$0x2] =	stream.indirect.gather [spmem:s2], $0x40, s20, s14, $0xb8;
	[tilespmem:$0x15EE0] =	vst v63  }
0x7a: {  	s31 =	sadd.s32 $0x31B8, s11  }
0x7b: {  	[tilespmem:s25], [sflag:$0x2] =	stream.indirect.gather [spmem:s2], $0x40, s31, s14, $0xb8;
	[tilespmem:$0x15EE0] =	vst v63  }
0x7c: {  	_ =	swait.ge [sflag:s26], $0x6400  }
0x7d: {  	[sflag:s26] =	ssyncset.done $0x0  }
0x7e: {  	[sflag:s26] =	ssyncadd.s32 $0xFFFF9C00  }
0x7f: {  	[hbm4b:s5+s28] =	stream.strided.scatter [tilespmem:s15], [sflag:$0x3], $0x6400, s29, s28, $0x38;
	[tilespmem:$0x15EE0] =	vst v63  }
0x80: {  	_ =	swait.ge [sflag:s12], $0x6400  }
0x81: {  	[sflag:s12] =	ssyncset.done $0x0  }
0x82: {  	s18 =	sadd.s32 $0x3220, s11;
	[sflag:s12] =	ssyncadd.s32 $0xFFFF9C00  }
0x83: {  	[tilespmem:s15], [sflag:$0x1] =	stream.indirect.gather [spmem:s2], $0x40, s18, s14, $0xb8;
	[tilespmem:$0x15EE0] =	vst v63  }
0x84: {  	s20 =	sadd.s32 $0x3288, s11  }
0x85: {  	[tilespmem:s17], [sflag:$0x1] =	stream.indirect.gather [spmem:s2], $0x40, s20, s14, $0xb8;
	[tilespmem:$0x15EE0] =	vst v63  }
0x86: {  	s31 =	sadd.s32 $0x32F0, s11  }
0x87: {  	[tilespmem:s19], [sflag:$0x1] =	stream.indirect.gather [spmem:s2], $0x40, s31, s14, $0xb8;
	[tilespmem:$0x15EE0] =	vst v63  }
0x88: {  	s18 =	sadd.s32 $0x3358, s11  }
0x89: {  	[tilespmem:s21], [sflag:$0x1] =	stream.indirect.gather [spmem:s2], $0x40, s18, s14, $0xb8;
	[tilespmem:$0x15EE0] =	vst v63  }
0x8a: {  	_ =	swait.ge [sflag:s30], $0x6400  }
0x8b: {  	[sflag:s30] =	ssyncset.done $0x0  }
0x8c: {  	s20 =	sadd.s32 $0x1900, s5;
	[sflag:s30] =	ssyncadd.s32 $0xFFFF9C00  }
0x8d: {  	[hbm4b:s20+s28] =	stream.strided.scatter [tilespmem:s22], [sflag:$0x3], $0x6400, s29, s28, $0x38;
	[tilespmem:$0x15EE0] =	vst v63  }
0x8e: {  	_ =	swait.ge [sflag:s12], $0x6400  }
0x8f: {  	[sflag:s12] =	ssyncset.done $0x0  }
0x90: {  	s31 =	simm.s32 $0x9540;
	[sflag:s12] =	ssyncadd.s32 $0xFFFF9C00  }
0x91: {  	[tilespmem:s22], [sflag:$0x2] =	stream.indirect.gather [spmem:s2], $0x40, s31, s14, $0xb8;
	[tilespmem:$0x15EE0] =	vst v63  }
0x92: {  	_ = 	snop  }
0x93: {  	[tilespmem:s23], [sflag:$0x2] =	stream.indirect.gather [spmem:s2], $0x40, s0, s14, $0xb8;
	[tilespmem:$0x15EE0] =	vst v63  }
0x94: {  	_ = 	snop  }
0x95: {  	[tilespmem:s24], [sflag:$0x2] =	stream.indirect.gather [spmem:s2], $0x40, s1, s14, $0xb8;
	[tilespmem:$0x15EE0] =	vst v63  }
0x96: {  	_ = 	snop  }
0x97: {  	[tilespmem:s25], [sflag:$0x2] =	stream.indirect.gather [spmem:s2], $0x40, s4, s14, $0xb8;
	[tilespmem:$0x15EE0] =	vst v63  }
0x98: {  	_ =	swait.ge [sflag:s26], $0x6400  }
0x99: {  	[sflag:s26] =	ssyncset.done $0x0  }
0x9a: {  	[sflag:s26] =	ssyncadd.s32 $0xFFFF9C00  }
0x9b: {  	[hbm4b:s8+s28] =	stream.strided.scatter [tilespmem:s15], [sflag:$0x3], $0x6400, s29, s28, $0x38;
	[tilespmem:$0x15EE0] =	vst v63  }
0x9c: {  	_ =	swait.ge [sflag:s12], $0x6400  }
0x9d: {  	[sflag:s12] =	ssyncset.done $0x0  }
0x9e: {  	[sflag:s12] =	ssyncadd.s32 $0xFFFF9C00  }
0x9f: {  	s3 =	sadd.s32 $0x1, s3;
	_ =	swait.ge [sflag:s30], $0x6400  }
0xa0: {  	p1 =	sne.s32 s3, s7;
	[sflag:s30] =	ssyncset.done $0x0  }
.Ltmp3:
0xa1: {  	[sflag:s30] =	ssyncadd.s32 $0xFFFF9C00;
	(pc) =	sbr.rel @p1 .LBB2_1-.Ltmp3, $4  }
0xa2: {  	[hbm4b:s9+s28] =	stream.strided.scatter [tilespmem:s22], [sflag:$0x3], $0x6400, s29, s28, $0x38;
	[tilespmem:$0x15EE0] =	vst v63  }
0xa3: {  	_ =	swait.ge [sflag:s12], $0x6400  }
0xa4: {  	[sflag:s12] =	ssyncset.done $0x0  }
0xa5: {  	[sflag:s12] =	ssyncadd.s32 $0xFFFF9C00  }
0xa6: {  	_ =	sfence.sel $0x180000  }
0xa7: {  	[bflag:$0x0] =	sbarrier.arrive $0xFFFF  }
0xa8: {  	_ =	strace $0x90000047  }
0xa9: {  	s0 =	stileid.u32;
	[bflag:$0x2] =	sbarrier.arrive $0xFFFF  }
0xaa: {  	p0 =	sne.s32 s0, $0x0;
	s0 =	rddreg [dreg:$0x3]  }
0xab: {  	s0 =	sadd.s32 @!p0 $0x100000, s0  }
0xac: {  	[sflag:s0] =	ssyncadd.tile.s32 @!p0 $0x1;
	_ =	shalt  }
.Lfunc_end2:
_tile_overlayer_lowered:
.L_overlay_start_2:
0xad: {  	(tag) =	ssettag $0x2  }
0xae: {  	s0 =	rddreg [dreg:$0x0];
	s2 =	stileid.u32  }
0xaf: {  	s1 =	rddreg [dreg:$0x1];
	p0 =	sne.s32 s2, $0x0  }
0xb0: {  	s3 =	rddreg [dreg:$0x2];
	[bflag:$0x3] =	sbarrier.arrive $0xFFFF;
	s2 =	simm.s32 @!p0 $0x1C03  }
0xb1: {  	[timem:s3], [sflag:s2] =	dma.local @!p0 [hbm:s0], s1  }
0xb2: {  	s0 =	simm.s32 @!p0 $0x3  }
0xb3: {  	_ =	swait.ge @!p0 [sflag:s0], s1  }
0xb4: {  	s1 =	ssub.s32 @!p0 $0x0, s1;
	[sflag:s0] =	ssyncset.done @!p0 $0x0  }
0xb5: {  	[sflag:s0] =	ssyncadd.s32 @!p0 s1  }
0xb6: {  	[bflag:$0x3] =	sbarrier.arrive $0xFFFF  }
0xb7: {  	_ =	shalt  }

// kernel: sparse-core-data-format-call.cloned.1.call-start
scs
called_computation_lowered:
.L_overlay_start_0:
0x0: {  	s2 =	sld [smem:$0x3FD9]  }
0x1: {  	s3 =	sld [smem:$0x3FFE];
	_ =	sdelay $0x1  }
0x2: {  	s1 =	srdreg.scid  }
0x3: {  	s0 =	sand.u32 $0x1, s1  }
0x4: {  	s18 =	sshll.u32 s0, $0xA;
	s2 =	sadd.s32 s3, s2  }
0x5: {  	s2 =	sadd.s32 s2, s18  }
0x6: {  	[smem:$0x3FC6] =	sst s2  }
0x7: {  	_ = 	snop  }
0x8: {  	s2 =	sld [smem:$0x3FD0];
	(tm) =	ssettm $0x1  }
0x9: {  	s19 =	sld [smem:$0x3FFB];
	_ =	sdelay $0x3  }
0xa: {  	_ =	strace s19  }
0xb: {  	s3 =	sld [smem:$0x3FFC];
	_ =	sdelay $0x3  }
0xc: {  	_ =	strace s3  }
0xd: {  	s3 =	sld [smem:$0x3FFD];
	_ =	sdelay $0x3  }
0xe: {  	_ =	strace s3  }
0xf: {  	_ =	strace $0x8FFFFFFF  }
0x10: {  	s20 =	sld [smem:$0x3FDB];
	_ =	sdelay $0x1  }
0x11: {  	s4 =	simm.s32 $_scs_section_size  }
0x12: {  	s5 =	simm.s32 $_size__tile_overlayer_lowered;
	s6 =	simm.s32 $_tile_overlayer_lowered  }
0x13: {  	s23 =	simm.s32 $0x1BFF;
	s22 =	sshll.u32 s6, $0x1;
	s3 =	sadd.s32 s4, s20  }
0x14: {  	s7 =	simm.s32 $0x0;
	s21 =	sshll.u32 s5, $0x1;
	s5 =	sadd.s32 s22, s3  }
0x15: {  	[timem:s7], [sflag:s23] =	dma.local [hbm:s5], s21  }
0x16: {  	_ =	swait.ge [sflag:s23], s21  }
0x17: {  	s4 =	ssub.s32 $0x0, s21;
	[sflag:s23] =	ssyncset.done $0x0  }
0x18: {  	[sflag:s23] =	ssyncadd.s32 s4;
	_ =	sdelay $0x1  }
0x19: {  	s24 =	simm.s32 $0x1B8B  }
0x1a: {  	_ =	swait.ge [sflag:s24], $0x1  }
0x1b: {  	[sflag:s24] =	ssyncset.done $0x0  }
0x1c: {  	s26 =	simm.s32 $0x1B8E;
	s25 =	sld [smem:$0x3FFE];
	[sflag:s24] =	ssyncadd.s32 $0xFFFFFFFF  }
0x1d: {  	s27 =	simm.s32 $execute0_lowered;
	[smem:$0x3FD2] =	sst s26  }
0x1e: {  	s5 =	sshll.u32 s27, $0x1;
	_ =	strace $0x80000049;
	[dreg:$0x1] =	wrdreg $0xFFFFFFFF  }
0x1f: {  	s28 =	simm.s32 $_size_execute0_lowered;
	s3 =	sadd.s32 s3, s5;
	[dreg:$0x0] =	wrdreg $0x0  }
0x20: {  	s5 =	sshll.u32 s28, $0x1;
	[dreg:$0x2] =	wrdreg s3  }
0x21: {  	[dreg:$0x3] =	wrdreg s5  }
0x22: {  	[dreg:$0x4] =	wrdreg $0xC0  }
0x23: {  	_ =	task [dreg:s7], $0x5FFFF  }
0x24: {  	[dreg:$0x1] =	wrdreg $0xFFFFFFFF  }
0x25: {  	[dreg:$0x0] =	wrdreg $0x60  }
0x26: {  	[dreg:$0x2] =	wrdreg s25  }
0x27: {  	[dreg:$0x3] =	wrdreg s2  }
0x28: {  	[dreg:$0x4] =	wrdreg $0x9  }
0x29: {  	_ =	task.clear_ibuf [dreg:s7], $0x5FFFF;
	_ =	strace $0x90000049  }
0x2a: {  	s29 =	simm.s32 $0x9;
	_ =	strace $0x8000004B  }
0x2b: {  	_ =	swait.ge [sflag:s29], $0x1  }
0x2c: {  	[sflag:s29] =	ssyncadd.s32 $0xFFFFFFFF  }
0x2d: {  	_ =	strace $0x9000004B  }
0x2e: {  	_ =	sfence  }
0x2f: {  	s30 =	sld [smem:$0x0];
	_ =	sdelay $0x2  }
0x30: {  	s31 =	sshll.u32 s1, $0xD;
	s1 =	sshrl.u32 s1, $0x2  }
0x31: {  	s3 =	sand.u32 $0x4000, s31;
	s1 =	sadd.s32 s1, s30  }
0x32: {  	s0 =	sor.u32 s3, s0;
	s1 =	sshll.u32 s1, $0x11  }
0x33: {  	s0 =	sor.u32 s1, s0  }
0x34: {  	s0 =	sadd.s32 $0x8F2B, s0  }
0x35: {  	[sflag:s0] =	ssyncadd.remote.s32 $0x1  }
0x36: {  	_ =	sfence.sel $0xFFFF  }
0x37: {  	[dreg:$0x0] =	wrdreg $0xFFFFFFFF;
	(pc) =	sbr.abs _section_cstart, $3  }
0x38: {  	[dreg:$0x1] =	wrdreg $0xFFFFFFFF  }
0x39: {  	_ =	task.clear_ibuf [dreg:s7], $0x2FFFF;
	_ =	strace $0x9FFFFFFF  }
0x3a: {  	(tm) =	ssettm $0x7FFFFFFF  }
0x3b: {  	_ =	shalt  }
tec
execute0_lowered:
.L_overlay_start_1:
0x0: {  	(tag) =	ssettag $0x1  }
0x1: {  	s0 =	srdreg.scid  }
0x2: {  	s1 =	sshll.u32 s0, $0x4  }
0x3: {  	s0 =	stileid.u32;
	s1 =	sand.u32 $0x10, s1  }
0x4: {  	s1 =	sor.u32 s0, s1  }
0x5: {  	s6 =	rddreg [dreg:$0x0];
	s4 =	simm.s32 $0x1;
	s2 =	sshll.u32 s1, $0x7  }
0x6: {  	s7 =	simm.s32 $0x2;
	s12 =	simm.s32 $0x0;
	s1 =	ssub.s32 $0x1000, s2  }
0x7: {  	s8 =	simm.s32 $0x8000;
	s13 =	simm.s32 $0x0;
	s3 =	sand.u32 $0xF80, s1  }
0x8: {  	s9 =	simm.s32 $0x0;
	s5 =	sshrl.u32 s1, $0xC;
	p0 =	sne.s32 s3, $0x0  }
.Ltmp0:
0x9: {  	s1 =	rddreg [dreg:$0x2];
	s4 =	simm.s32 @!p0 $0x0;
	(pc) =	sbr.rel .LBB1_1-.Ltmp0, $4  }
0xa: {  	s11 =	simm.s32 $0x0;
	s3 =	rddreg [dreg:$0x1];
	s5 =	sadd.s32 s4, s5  }
0xb: {  	_ =	strace $0x8000004A;
	s4 =	simm.s32 $0x1;
	s5 =	smul.u32 $0xC8, s5  }
0xc: {  	s6 =	sadd.s32 $0x2800, s6;
	s10 =	smov.u32 s2;
	[sflag:s4] =	ssyncpa.u1 $0x0  }
0xd: {  	p0 =	por $0x0, $0x0;
	[sflag:s7] =	ssyncpa.u1 $0x0;
	s7 =	sor.u32 $0x1, s5  }
.LBB1_4:
0xe: {  	s16 =	sshll.u32 s13, $0x3;
	s17 =	sand.u32 $0x78, s13  }
0xf: {  	s30 =	sand.u32 $0x7E00, s13;
	s12 =	sshll.u32 s12, $0xF;
	s16 =	sand.u32 $0xC00, s16  }
0x10: {  	[tilespmem:s15+$0x810 ss:$0x81] =	vst.msk $0xffff, v2;
	s31 =	sand.u32 $0x7, s13;
	s16 =	sor.u32 s17, s16;
	s17 =	sadd.s32 s3, s30  }
0x11: {  	[tilespmem:s15+$0x1020 ss:$0x81] =	vst.msk $0xffff, v0;
	s13 =	sshll.u32 s31, $0x12;
	s12 =	sadd.s32 s12, s17;
	s16 =	sshrl.u32 s16, $0x3  }
0x12: {  	[tilespmem:s15+$0x0 ss:$0x81] =	vst.msk $0xffff, v1;
	s13 =	sor.u32 $0x400, s13;
	s12 =	sadd.s32 s16, s12  }
0x13: {  	[hbm4b:s12+s13] =	stream.strided.scatter [tilespmem:s14], [sflag:$0x2], $0x2000, s8, s13, $0x20;
	[tilespmem:$0x8080] =	vst v63  }
.LBB1_5:
0x14: {  	s14 =	sadd.s32 $0x1, s9  }
0x15: {  	s12 =	sadd.s32 $0x1000, s10;
	s16 =	smov.u32 s10;
	p2 =	sgt.s32 s14, $0xC7  }
0x16: {  	s16 =	smov.u32 @p2 s12  }
0x17: {  	s14 =	simm.s32 @p2 $0x0;
	p2 =	sgt.s32 s16, $0xFFF  }
0x18: {  	s16 =	smov.u32 @p2 s2;
	p2 =	sne.s32 s11, s7  }
.Ltmp1:
0x19: {  	p1 =	slt.u32 s11, $0x2;
	(pc) =	sbr.rel @!p2 .LBB1_6-.Ltmp1, $4  }
0x1a: {  	s15 =	simm.s32 @!p1 $0x2  }
0x1b: {  	s13 =	smov.u32 s10;
	p0 =	por !p0, !p0;
	_ =	swait.ge @!p1 [sflag:s15], $0x2000  }
0x1c: {  	s12 =	smov.u32 s9;
	[sflag:s15] =	ssyncset.done @!p1 $0x0;
	s9 =	smov.u32 s14  }
0x1d: {  	s11 =	sadd.s32 $0x1, s11;
	[sflag:s15] =	ssyncadd.s32 @!p1 $0xFFFFE000;
	s10 =	smov.u32 s16  }
.LBB1_1:
0x1e: {  	p1 =	sge.u32 s11, s5  }
0x1f: {  	s14 =	sand.u32 @!p1 $0x1FFFFFF, s9  }
0x20: {  	s15 =	smulhi.u32 @!p1 $0x147AE15, s14;
	_ =	sdelay $0x1  }
0x21: {  	s15 =	smul.u32 @!p1 $0xC8, s15  }
0x22: {  	s16 =	sxor.u32 @!p1 $0xFFFFFFFF, s11;
	s17 =	smul.u32 @!p1 $0xC80, s10  }
0x23: {  	s31 =	sadd.s32 $0xFFFFFFFF, s11;
	s16 =	sshll.u32 @!p1 s16, $0xD;
	s14 =	ssub.s32 @!p1 s14, s15  }
0x24: {  	s15 =	sand.u32 @!p1 $0x2000, s16;
	s16 =	sadd.s32 @!p1 s6, s17;
	s14 =	sshll.u32 @!p1 s14, $0x4  }
0x25: {  	s17 =	simm.s32 @!p1 $0x6400;
	s14 =	sadd.s32 @!p1 s14, s16;
	s16 =	simm.s32 @!p1 $0x40  }
0x26: {  	[tilespmem:s15], [sflag:$0x1] =	stream.strided.gather @!p1 [hbm4b:s14+s16], $0x2000, s17, s16, $0x38;
	[tilespmem:$0x8080] =	vst v63  }
0x27: {  	p1 =	sge.u32 s31, s5  }
.Ltmp2:
0x28: {  	_ = 	snop;
	(pc) =	sbr.rel @p1 .LBB1_5-.Ltmp2, $1  }
0x29: {  	_ =	sdelay $0x3  }
0x2a: {  	s14 =	simm.s32 $0x1  }
0x2b: {  	_ =	swait.ge [sflag:s4], $0x2000;
	s14 =	simm.s32 @!p0 $0x0  }
0x2c: {  	[sflag:s4] =	ssyncset.done $0x0;
	s15 =	sshll.u32 s14, $0xD  }
0x2d: {  	[sflag:s4] =	ssyncadd.s32 $0xFFFFE000;
	s18 =	sor.u32 $0x20, s15  }
0x2e: {  	s14 =	smul.u32 $0x8100, s14;
	v3 =	vld [tilespmem:s18+$0x10]  }
0x2f: {  	s30 =	sand.u32 $0x1, s11;
	v2 =	vld [tilespmem:s18+$0xFFFFFFF0]  }
0x30: {  	s15 =	smul.u32 $0x8100, s30;
	s14 =	sshrl.u32 s14, $0x2;
	v0 =	vld [tilespmem:s18+$0x0]  }
0x31: {  	v1 =	vld [tilespmem:s18+$0xFFFFFFE0];
	s16 =	sor.u32 $0x4000, s14  }
0x32: {  	s31 =	sshrl.u32 s15, $0x2;
	s15 =	sadd.s32 $0x0, s16  }
0x33: {  	s17 =	simm.s32 $0x4;
	s18 =	sadd.s32 $0x40, s18;
	s14 =	sor.u32 $0x4000, s31;
	[tilespmem:s15+$0x1830 ss:$0x81] =	vst.msk $0xffff, v3  }
.LBB1_3:
0x34: {  	v3 =	vld [tilespmem:s18+$0x10];
	p1 =	sne.s32 s17, $0x1FC;
	[tilespmem:s15+$0x810 ss:$0x81] =	vst.msk $0xffff, v2;
	s19 =	smov.u32 s17;
	s17 =	sadd.s32 $0x4, s17  }
.Ltmp3:
0x35: {  	v2 =	vld [tilespmem:s18+$0xFFFFFFF0];
	[tilespmem:s15+$0x1020 ss:$0x81] =	vst.msk $0xffff, v0;
	(pc) =	sbr.rel @p1 .LBB1_3-.Ltmp3, $4  }
0x36: {  	v0 =	vld [tilespmem:s18+$0x0];
	[tilespmem:s15+$0x0 ss:$0x81] =	vst.msk $0xffff, v1  }
0x37: {  	s15 =	sshra.s32 s19, $0x2;
	v1 =	vld [tilespmem:s18+$0xFFFFFFE0]  }
0x38: {  	s15 =	sadd.s32 s15, s16  }
0x39: {  	s18 =	sadd.s32 $0x40, s18;
	[tilespmem:s15+$0x1830 ss:$0x81] =	vst.msk $0xffff, v3  }
.Ltmp4:
0x3a: {  	_ = 	snop;
	(pc) =	sbr.rel .LBB1_4-.Ltmp4, $1  }
0x3b: {  	_ =	sdelay $0x3  }
.LBB1_6:
0x3c: {  	_ =	sfence.sel $0x180000  }
0x3d: {  	s2 =	simm.s32 $0x1;
	[bflag:$0x0] =	sbarrier.arrive $0xFFFF  }
0x3e: {  	s31 =	simm.s32 $0x2;
	[sflag:s2] =	ssyncpa.u1 $0x1  }
0x3f: {  	[sflag:s31] =	ssyncpa.u1 $0x1  }
0x40: {  	p0 =	sne.s32 s0, $0x0;
	_ =	strace $0x9000004A  }
0x41: {  	s0 =	sadd.s32 @!p0 $0x100000, s1;
	[bflag:$0x2] =	sbarrier.arrive $0xFFFF  }
0x42: {  	[sflag:s0] =	ssyncadd.tile.s32 @!p0 $0x1;
	_ =	shalt  }
.Lfunc_end1:
_tile_overlayer_lowered:
.L_overlay_start_2:
0x43: {  	(tag) =	ssettag $0x2  }
0x44: {  	s0 =	rddreg [dreg:$0x0];
	s2 =	stileid.u32  }
0x45: {  	s1 =	rddreg [dreg:$0x1];
	p0 =	sne.s32 s2, $0x0  }
0x46: {  	s3 =	rddreg [dreg:$0x2];
	[bflag:$0x3] =	sbarrier.arrive $0xFFFF;
	s2 =	simm.s32 @!p0 $0x1C01  }
0x47: {  	[timem:s3], [sflag:s2] =	dma.local @!p0 [hbm:s0], s1  }
0x48: {  	s0 =	simm.s32 @!p0 $0x1  }
0x49: {  	_ =	swait.ge @!p0 [sflag:s0], s1  }
0x4a: {  	s1 =	ssub.s32 @!p0 $0x0, s1;
	[sflag:s0] =	ssyncset.done @!p0 $0x0  }
0x4b: {  	[sflag:s0] =	ssyncadd.s32 @!p0 s1  }
0x4c: {  	[bflag:$0x3] =	sbarrier.arrive $0xFFFF  }
0x4d: {  	_ =	shalt  }

</sc_bundles>
